<compile_context>
chip_gen: v7x
topology: tpu7x:2x2x1
jax: 0.10.2.dev20260603
libtpu: 0.0.44.dev20260713+nightly
codegen_flags: <defaults>
</compile_context>

<pallas_src>
import functools

import jax
import jax.numpy as jnp
from jax import lax
from jax.experimental import pallas as pl
from jax.experimental.pallas import tpu as pltpu
from jax.experimental.pallas import tpu_sc as plsc

N_NODES_ = 10000
D_ = 128
C_ = 8
E_ = 320000

_NC = 2
_NS = 16
_NW = _NC * _NS
_CHUNK = 128
_STEPS = 80
_EPAD = _NW * _STEPS * _CHUNK
_LAST_STEPS = 20
_NACC = N_NODES_
_COPY_ROWS = 624
_ZROWS = 16
_NBUF = 2


def _edge_partials(x, packed2):
    mesh = plsc.VectorSubcoreMesh(core_axis_name="c", subcore_axis_name="s")

    @functools.partial(
        pl.kernel,
        mesh=mesh,
        out_type=jax.ShapeDtypeStruct((_NC, _NACC, D_), jnp.float32),
        scratch_types=[
            pltpu.VMEM((_STEPS, _CHUNK), jnp.int32),
            pltpu.VMEM((_NBUF, _CHUNK), jnp.int32),
            pltpu.VMEM((_NBUF, _CHUNK), jnp.int32),
            pltpu.VMEM((_NBUF, _CHUNK, D_), jnp.float32),
            pltpu.VMEM((_ZROWS, D_), jnp.float32),
            pltpu.VMEM_SHARED((_NACC, D_), jnp.float32),
            pltpu.SemaphoreType.DMA,
            pltpu.SemaphoreType.DMA,
            pltpu.SemaphoreType.DMA,
            pltpu.SemaphoreType.DMA,
            pltpu.SemaphoreType.DMA,
        ],
    )
    def k(x_hbm, pk_hbm, out_hbm, pk_v, src_r, dst_r, rows_v, zbuf, acc,
          sem0, sem1, ss0, ss1, zsem):
        sems = (sem0, sem1)
        ssems = (ss0, ss1)
        c = lax.axis_index("c")
        s = lax.axis_index("s")
        wid = c * _NS + s
        n_steps = jnp.where(wid == _NW - 1, _LAST_STEPS, _STEPS)

        def unpack(b, g):
            for j in range(_CHUNK // 16):
                v = pk_v[g, pl.ds(j * 16, 16)]
                src_r[b, pl.ds(j * 16, 16)] = jnp.bitwise_and(v, 0xFFFF)
                dst_r[b, pl.ds(j * 16, 16)] = lax.shift_right_logical(v, 16)

        pltpu.sync_copy(pk_hbm.at[pl.ds(wid * _STEPS, _STEPS)], pk_v)
        unpack(0, 0)
        pltpu.async_copy(x_hbm.at[src_r.at[0]], rows_v.at[0], sems[0])

        zero16 = jnp.zeros((16,), jnp.float32)

        def zrow(i, _):
            for j in range(D_ // 16):
                zbuf[i, pl.ds(j * 16, 16)] = zero16
            return 0

        lax.fori_loop(0, _ZROWS, zrow, 0)
        n_z = _COPY_ROWS // _ZROWS + jnp.where(s == _NS - 1, 1, 0)

        def zfire(j, _):
            pltpu.async_copy(
                zbuf, acc.at[pl.ds(s * _COPY_ROWS + j * _ZROWS, _ZROWS)], zsem
            )
            return 0

        def zdrain(j, _):
            pltpu.make_async_copy(
                zbuf, acc.at[pl.ds(s * _COPY_ROWS, _ZROWS)], zsem
            ).wait()
            return 0

        lax.fori_loop(0, n_z, zfire, 0)
        lax.fori_loop(0, n_z, zdrain, 0)
        plsc.subcore_barrier()

        def step(i, _):
            for b in range(_NBUF):
                g = i * _NBUF + b
                bo = 1 - b

                @pl.when(g + 1 < n_steps)
                def _():
                    @pl.when(g >= 1)
                    def _():
                        pltpu.make_async_copy(
                            rows_v.at[bo], acc.at[dst_r.at[bo]], ssems[bo]
                        ).wait()

                    unpack(bo, g + 1)
                    pltpu.async_copy(
                        x_hbm.at[src_r.at[bo]], rows_v.at[bo], sems[bo]
                    )

                pltpu.make_async_copy(
                    x_hbm.at[src_r.at[b]], rows_v.at[b], sems[b]
                ).wait()
                pltpu.async_copy(
                    rows_v.at[b], acc.at[dst_r.at[b]], ssems[b], add=True
                )

            return 0

        lax.fori_loop(0, (n_steps + _NBUF - 1) // _NBUF, step, 0)
        for b in range(_NBUF):
            pltpu.make_async_copy(
                rows_v.at[b], acc.at[dst_r.at[b]], ssems[b]
            ).wait()
        plsc.subcore_barrier()

        pltpu.sync_copy(
            acc.at[pl.ds(s * _COPY_ROWS, _COPY_ROWS)],
            out_hbm.at[c, pl.ds(s * _COPY_ROWS, _COPY_ROWS)],
        )

        @pl.when(s == _NS - 1)
        def _():
            pltpu.sync_copy(
                acc.at[pl.ds(_NS * _COPY_ROWS, _NACC - _NS * _COPY_ROWS)],
                out_hbm.at[c, pl.ds(_NS * _COPY_ROWS, _NACC - _NS * _COPY_ROWS)],
            )

    return k(x, packed2)


_NB = 5
_BLK = N_NODES_ // _NB


def _mask_kernel(x_ref, ws_ref, mask_ref, p_ref, s_ref):
    i = pl.program_id(0)
    scores = jnp.dot(x_ref[...], ws_ref[...], preferred_element_type=jnp.float32)
    m = scores - jnp.max(scores, axis=1, keepdims=True)
    e = jnp.exp(m)
    nm = e / jnp.sum(e, axis=1, keepdims=True)
    mask_ref[...] = nm
    p_blk = lax.dot_general(
        nm, x_ref[...], (((0,), (0,)), ((), ())), preferred_element_type=jnp.float32
    )
    s_blk = jnp.sum(nm, axis=0, keepdims=True)

    @pl.when(i == 0)
    def _():
        p_ref[...] = p_blk
        s_ref[...] = s_blk

    @pl.when(i > 0)
    def _():
        p_ref[...] += p_blk
        s_ref[...] += s_blk


def _routing(x, w_score):
    return pl.pallas_call(
        _mask_kernel,
        grid=(_NB,),
        in_specs=[
            pl.BlockSpec((_BLK, D_), lambda i: (i, 0)),
            pl.BlockSpec((D_, C_), lambda i: (0, 0)),
        ],
        out_specs=[
            pl.BlockSpec((_BLK, C_), lambda i: (i, 0)),
            pl.BlockSpec((C_, D_), lambda i: (0, 0)),
            pl.BlockSpec((1, C_), lambda i: (0, 0)),
        ],
        out_shape=[
            jax.ShapeDtypeStruct((N_NODES_, C_), jnp.float32),
            jax.ShapeDtypeStruct((C_, D_), jnp.float32),
            jax.ShapeDtypeStruct((1, C_), jnp.float32),
        ],
    )(x, w_score)


def _final_kernel(
    x_ref, mask_ref, a0_ref, a1_ref, p_ref, s_ref,
    wb2c_ref, wbb_ref, wcb_ref, wbc_ref, wcc_ref, wp1_ref, wp2_ref, bp_ref,
    out_ref, accsum,
):
    i = pl.program_id(0)
    denom = s_ref[...].reshape(C_, 1) + 1e-6
    cx = jnp.dot(p_ref[...], wb2c_ref[...], preferred_element_type=jnp.float32) / denom
    mcb = jnp.dot(cx, wcb_ref[...], preferred_element_type=jnp.float32)
    agg = a0_ref[...].astype(jnp.float32) + a1_ref[...].astype(jnp.float32)
    m_bb = jnp.dot(agg, wbb_ref[...], preferred_element_type=jnp.float32)
    m_cb = jnp.dot(mask_ref[...], mcb, preferred_element_type=jnp.float32)
    base = jnp.maximum(m_bb + m_cb + x_ref[...], 0.0)
    bsum = jnp.sum(base, axis=0, keepdims=True)

    @pl.when(i == 0)
    def _():
        accsum[...] = bsum

    @pl.when(i > 0)
    def _():
        accsum[...] += bsum

    @pl.when(i == _NB - 1)
    def _():
        m_bc = jnp.dot(p_ref[...], wbc_ref[...], preferred_element_type=jnp.float32) / denom
        aggc = jnp.dot(
            jnp.sum(cx, axis=0, keepdims=True) - cx,
            wcc_ref[...],
            preferred_element_type=jnp.float32,
        ) / (C_ - 1)
        cent = jnp.maximum(m_bc + aggc + cx, 0.0)
        mean_cent = jnp.mean(cent, axis=0, keepdims=True)
        mean_base = accsum[...] * (1.0 / N_NODES_)
        out_ref[...] = (
            jnp.dot(mean_base, wp1_ref[...], preferred_element_type=jnp.float32)
            + jnp.dot(mean_cent, wp2_ref[...], preferred_element_type=jnp.float32)
            + bp_ref[...]
        )


def _final(x, mask, a0, a1, p, s1, w_base2c, w_bb, w_cb, w_bc, w_cc, wp1, wp2, bp):
    full = lambda shape: pl.BlockSpec(shape, lambda i: tuple(0 for _ in shape))
    return pl.pallas_call(
        _final_kernel,
        grid=(_NB,),
        in_specs=[
            pl.BlockSpec((_BLK, D_), lambda i: (i, 0)),
            pl.BlockSpec((_BLK, C_), lambda i: (i, 0)),
            pl.BlockSpec((_BLK, D_), lambda i: (i, 0)),
            pl.BlockSpec((_BLK, D_), lambda i: (i, 0)),
            full((C_, D_)),
            full((1, C_)),
            full((D_, D_)),
            full((D_, D_)),
            full((D_, D_)),
            full((D_, D_)),
            full((D_, D_)),
            full((D_, D_)),
            full((D_, D_)),
            full((1, D_)),
        ],
        out_specs=pl.BlockSpec((1, D_), lambda i: (0, 0)),
        out_shape=jax.ShapeDtypeStruct((1, D_), jnp.float32),
        scratch_shapes=[pltpu.VMEM((1, D_), jnp.float32)],
    )(x, mask, a0, a1, p, s1, w_base2c, w_bb, w_cb, w_bc, w_cc, wp1, wp2, bp)


def kernel(x, edge_index, W_score, W_base2c, W_bb, W_cb, W_bc, W_cc, W_pred, b_pred):
    packed = edge_index[0] + edge_index[1] * 65536
    packed = jnp.concatenate(
        [packed, jnp.zeros((_EPAD - E_,), jnp.int32)]
    ).reshape(_NW * _STEPS, _CHUNK)
    partials = _edge_partials(x, packed)
    mask, p, s1 = _routing(x, W_score)
    out = _final(
        x, mask, partials[0], partials[1], p, s1,
        W_base2c, W_bb, W_cb, W_bc, W_cc,
        W_pred[:D_], W_pred[D_:], b_pred.reshape(1, D_),
    )
    return out.reshape(D_)

# --- scband reference (transcript-rebuilt; emitter-appended) ---
"""Pipeline reference for scband-hybrid-model-56831007261156 (READ-ONLY COPY).

The authoritative reference and input builder live on the scoring server;
editing this copy changes nothing except your own understanding.
"""

import jax, jax.numpy as jnp
import numpy as np

N_NODES = 10000
N_EDGES = 320000
D_FEAT = 128
N_CENTROIDS = 8
OUT_DIM = 128


def setup_inputs(seed: int = 0) -> dict:
    key = jax.random.key(seed)
    ks = jax.random.split(key, 10)
    s = 1.0 / np.sqrt(D_FEAT)
    inp = {
        "x": jax.random.normal(ks[0], (N_NODES, D_FEAT), dtype=jnp.float32),
        # int64 per spec; int32 used here so module runs without jax x64 flag
        "edge_index": jax.random.randint(ks[1], (2, N_EDGES), 0, N_NODES, dtype=jnp.int32),
        # scorer_model weight: node features -> centroid scores (n_ensemble=1 folded in)
        "W_score": jax.random.normal(ks[2], (D_FEAT, N_CENTROIDS), dtype=jnp.float32) * s,
        # base2centroid_model weight
        "W_base2c": jax.random.normal(ks[3], (D_FEAT, D_FEAT), dtype=jnp.float32) * s,
        # hetero_gnn weights: base->base, centroid->base, base->centroid, centroid->centroid
        "W_bb": jax.random.normal(ks[4], (D_FEAT, D_FEAT), dtype=jnp.float32) * s,
        "W_cb": jax.random.normal(ks[5], (D_FEAT, D_FEAT), dtype=jnp.float32) * s,
        "W_bc": jax.random.normal(ks[6], (D_FEAT, D_FEAT), dtype=jnp.float32) * s,
        "W_cc": jax.random.normal(ks[7], (D_FEAT, D_FEAT), dtype=jnp.float32) * s,
        # pred_head weight on concatenated pooled [base || centroid] embedding
        "W_pred": jax.random.normal(ks[8], (2 * D_FEAT, OUT_DIM), dtype=jnp.float32) * s,
        "b_pred": jnp.zeros((OUT_DIM,), dtype=jnp.float32),
    }
    return inp


def reference(x, edge_index, W_score, W_base2c, W_bb, W_cb, W_bc, W_cc, W_pred, b_pred):
    # Faithful single-graph (n_graphs=1, n_samples=1, n_ensemble=1) pipeline of HybridModel.forward:
    # scorer -> sampler (validation/relaxed path) -> base2centroid -> hetero GNN over the
    # bipartite base/centroid graph (base->base uses edge_index; base<->centroid uses node_mask
    # as dense edge weights, equivalent to the full src/dst scatter since every node connects
    # to every centroid) -> JK (last layer) -> pred head (mean pool + linear).
    N = x.shape[0]
    C = W_score.shape[1]
    # scorer_model
    scores = x @ W_score  # [N, C]
    # sampler: relaxed assignment over centroids (validation path of Gumbel/SIMPLE sampler)
    node_mask = jax.nn.softmax(scores, axis=-1)  # [N, C]
    denom = jnp.sum(node_mask, axis=0)[:, None] + 1e-6  # [C, 1]
    # base2centroid_model: weighted mean aggregation of transformed node feats per centroid
    h = x @ W_base2c
    centroid_x = (node_mask.T @ h) / denom  # [C, F]
    # hetero_gnn, one round of message passing
    src = edge_index[0]
    dst = edge_index[1]
    # base -> base: gather + scatter-add over 320k edges (memory-bound)
    m_bb = jax.ops.segment_sum(jnp.take(x, src, axis=0) @ W_bb, dst, num_segments=N)
    # centroid -> base: weighted by edge_weight = node_mask
    m_cb = node_mask @ (centroid_x @ W_cb)
    base_emb = jax.nn.relu(m_bb + m_cb + x)
    # base -> centroid
    m_bc = (node_mask.T @ (x @ W_bc)) / denom
    # centroid -> centroid: fully connected (triu+tril indices) == all-others mean
    agg_c = ((jnp.sum(centroid_x, axis=0, keepdims=True) - centroid_x) @ W_cc) / (C - 1)
    cent_emb = jax.nn.relu(m_bc + agg_c + centroid_x)
    # jk_func = last; pred_head: mean-pool base and centroid embeddings, concat, linear
    g = jnp.concatenate([jnp.mean(base_emb, axis=0), jnp.mean(cent_emb, axis=0)])
    graph_embedding = g @ W_pred + b_pred  # [OUT_DIM]
    return graph_embedding

if __name__ == "__main__":
    import jax
    _d = setup_inputs()
    print(jax.jit(kernel)(*tuple(_d.values())))

</pallas_src>

<mosaic_0001>
#map = affine_map<(d0, d1) -> (0, 0)>
#map1 = affine_map<(d0, d1) -> (0, 0, 0)>
module attributes {stable_mosaic.version = 14 : i64} {
  func.func @k(%arg0: i32, %arg1: i32, %arg2: memref<10000x128xf32, #tpu.memory_space<hbm>>, %arg3: memref<2560x128xi32, #tpu.memory_space<hbm>>, %arg4: memref<2x10000x128xf32, #tpu.memory_space<hbm>>, %arg5: memref<80x128xi32, #tpu.memory_space<vmem>>, %arg6: memref<2x128xi32, #tpu.memory_space<vmem>>, %arg7: memref<2x128xi32, #tpu.memory_space<vmem>>, %arg8: memref<2x128x128xf32, #tpu.memory_space<vmem>>, %arg9: memref<16x128xf32, #tpu.memory_space<vmem>>, %arg10: memref<10000x128xf32, #tpu.memory_space<vmem_shared>>, %arg11: memref<!tpu.dma_semaphore, #tpu.memory_space<semaphore_mem>>, %arg12: memref<!tpu.dma_semaphore, #tpu.memory_space<semaphore_mem>>, %arg13: memref<!tpu.dma_semaphore, #tpu.memory_space<semaphore_mem>>, %arg14: memref<!tpu.dma_semaphore, #tpu.memory_space<semaphore_mem>>, %arg15: memref<!tpu.dma_semaphore, #tpu.memory_space<semaphore_mem>>) attributes {dimension_semantics = [#tpu.dimension_semantics<core_parallel>, #tpu.dimension_semantics<subcore_parallel>], iteration_bounds = array<i64: 2, 16>, scalar_prefetch = 0 : i64, scratch_operands = 11 : i64, tpu.core_type = #tpu.core_type<sc_vector_subcore>, window_params = [{transform_indices = #map}, {transform_indices = #map}, {transform_indices = #map1}]} {
    %mul3A = arith.constant 16 : i32
    %mul3A_0 = arith.muli %arg0, %mul3A : i32
    %add3A = arith.addi %mul3A_0, %arg1 : i32
    %eq3A = arith.constant 31 : i32
    %eq3A_1 = arith.cmpi eq, %add3A, %eq3A : i32
    %jit3A = arith.constant 20 : i32
    %jit3A_2 = arith.constant 80 : i32
    %select_n3A = arith.select %eq3A_1, %jit3A, %jit3A_2 : i32
    %mul3A_3 = arith.constant 80 : i32
    %mul3A_4 = arith.muli %add3A, %mul3A_3 : i32
    "tpu.region"() ({
      %run_scoped3A = tpu.sem_alloc : memref<!tpu.dma_semaphore, #tpu.memory_space<semaphore_mem>>
      %dma_start3A_299 = arith.constant 0 : i32
      %dma_start3A_300 = tpu.memref_slice %arg3[%mul3A_4, %dma_start3A_299] : memref<2560x128xi32, #tpu.memory_space<hbm>> -> memref<80x128xi32, #tpu.memory_space<hbm>>
      %dma_start3A_301 = arith.constant 0 : i32
      %dma_start3A_302 = tpu.memref_slice %arg3[%mul3A_4, %dma_start3A_301] : memref<2560x128xi32, #tpu.memory_space<hbm>> -> memref<80x128xi32, #tpu.memory_space<hbm>>
      tpu.enqueue_dma source(%dma_start3A_302 : memref<80x128xi32, #tpu.memory_space<hbm>>) target(%arg5 : memref<80x128xi32, #tpu.memory_space<vmem>>) target_semaphore(%run_scoped3A : memref<!tpu.dma_semaphore, #tpu.memory_space<semaphore_mem>>)
      %dma_wait3A_303 = arith.constant 0 : i32
      %dma_wait3A_304 = tpu.memref_slice %arg3[%mul3A_4, %dma_wait3A_303] : memref<2560x128xi32, #tpu.memory_space<hbm>> -> memref<80x128xi32, #tpu.memory_space<hbm>>
      %dma_wait3A_305 = arith.constant 0 : i32
      %dma_wait3A_306 = tpu.memref_slice %arg3[%mul3A_4, %dma_wait3A_305] : memref<2560x128xi32, #tpu.memory_space<hbm>> -> memref<80x128xi32, #tpu.memory_space<hbm>>
      tpu.wait_dma2 semaphore(%run_scoped3A : memref<!tpu.dma_semaphore, #tpu.memory_space<semaphore_mem>>) src(%dma_wait3A_306 : memref<80x128xi32, #tpu.memory_space<hbm>>) dst(%arg5 : memref<80x128xi32, #tpu.memory_space<vmem>>)
      tpu.yield
    }) : () -> ()
    %get3A = arith.constant 0 : i32
    %get3A_5 = arith.index_cast %get3A : i32 to index
    %get3A_6 = arith.constant 0 : index
    %get3A_7 = tpu.vector_load %arg5[%get3A_5, %get3A_6] {strides = array<i32>} : memref<80x128xi32, #tpu.memory_space<vmem>>, vector<1x16xi32>,
    %get3A_8 = vector.shape_cast %get3A_7 : vector<1x16xi32> to vector<16xi32>
    %and3A = arith.constant 65535 : i32
    %and3A_9 = vector.broadcast %and3A : i32 to vector<16xi32>
    %and3A_10 = arith.andi %get3A_8, %and3A_9 : vector<16xi32>
    %swap3A = arith.constant 0 : i32
    %swap3A_11 = arith.index_cast %swap3A : i32 to index
    %swap3A_12 = arith.constant 0 : index
    %swap3A_13 = tpu.vector_load %arg6[%swap3A_11, %swap3A_12] {strides = array<i32>} : memref<2x128xi32, #tpu.memory_space<vmem>>, vector<1x16xi32>,
    %swap3A_14 = vector.shape_cast %swap3A_13 : vector<1x16xi32> to vector<16xi32>
    %swap3A_15 = vector.shape_cast %and3A_10 : vector<16xi32> to vector<1x16xi32>
    tpu.vector_store %arg6[%swap3A_11, %swap3A_12], %swap3A_15 {strides = array<i32>} : memref<2x128xi32, #tpu.memory_space<vmem>>, vector<1x16xi32>,
    %shift_right_logical3A = arith.constant 16 : i32
    %shift_right_logical3A_16 = vector.broadcast %shift_right_logical3A : i32 to vector<16xi32>
    %shift_right_logical3A_17 = arith.shrui %get3A_8, %shift_right_logical3A_16 : vector<16xi32>
    %swap3A_18 = arith.constant 0 : i32
    %swap3A_19 = arith.index_cast %swap3A_18 : i32 to index
    %swap3A_20 = arith.constant 0 : index
    %swap3A_21 = tpu.vector_load %arg7[%swap3A_19, %swap3A_20] {strides = array<i32>} : memref<2x128xi32, #tpu.memory_space<vmem>>, vector<1x16xi32>,
    %swap3A_22 = vector.shape_cast %swap3A_21 : vector<1x16xi32> to vector<16xi32>
    %swap3A_23 = vector.shape_cast %shift_right_logical3A_17 : vector<16xi32> to vector<1x16xi32>
    tpu.vector_store %arg7[%swap3A_19, %swap3A_20], %swap3A_23 {strides = array<i32>} : memref<2x128xi32, #tpu.memory_space<vmem>>, vector<1x16xi32>,
    %get3A_24 = arith.constant 0 : i32
    %get3A_25 = arith.index_cast %get3A_24 : i32 to index
    %get3A_26 = arith.constant 16 : index
    %get3A_27 = tpu.vector_load %arg5[%get3A_25, %get3A_26] {strides = array<i32>} : memref<80x128xi32, #tpu.memory_space<vmem>>, vector<1x16xi32>,
    %get3A_28 = vector.shape_cast %get3A_27 : vector<1x16xi32> to vector<16xi32>
    %and3A_29 = arith.constant 65535 : i32
    %and3A_30 = vector.broadcast %and3A_29 : i32 to vector<16xi32>
    %and3A_31 = arith.andi %get3A_28, %and3A_30 : vector<16xi32>
    %swap3A_32 = arith.constant 0 : i32
    %swap3A_33 = arith.index_cast %swap3A_32 : i32 to index
    %swap3A_34 = arith.constant 16 : index
    %swap3A_35 = tpu.vector_load %arg6[%swap3A_33, %swap3A_34] {strides = array<i32>} : memref<2x128xi32, #tpu.memory_space<vmem>>, vector<1x16xi32>,
    %swap3A_36 = vector.shape_cast %swap3A_35 : vector<1x16xi32> to vector<16xi32>
    %swap3A_37 = vector.shape_cast %and3A_31 : vector<16xi32> to vector<1x16xi32>
    tpu.vector_store %arg6[%swap3A_33, %swap3A_34], %swap3A_37 {strides = array<i32>} : memref<2x128xi32, #tpu.memory_space<vmem>>, vector<1x16xi32>,
    %shift_right_logical3A_38 = arith.constant 16 : i32
    %shift_right_logical3A_39 = vector.broadcast %shift_right_logical3A_38 : i32 to vector<16xi32>
    %shift_right_logical3A_40 = arith.shrui %get3A_28, %shift_right_logical3A_39 : vector<16xi32>
    %swap3A_41 = arith.constant 0 : i32
    %swap3A_42 = arith.index_cast %swap3A_41 : i32 to index
    %swap3A_43 = arith.constant 16 : index
    %swap3A_44 = tpu.vector_load %arg7[%swap3A_42, %swap3A_43] {strides = array<i32>} : memref<2x128xi32, #tpu.memory_space<vmem>>, vector<1x16xi32>,
    %swap3A_45 = vector.shape_cast %swap3A_44 : vector<1x16xi32> to vector<16xi32>
    %swap3A_46 = vector.shape_cast %shift_right_logical3A_40 : vector<16xi32> to vector<1x16xi32>
    tpu.vector_store %arg7[%swap3A_42, %swap3A_43], %swap3A_46 {strides = array<i32>} : memref<2x128xi32, #tpu.memory_space<vmem>>, vector<1x16xi32>,
    %get3A_47 = arith.constant 0 : i32
    %get3A_48 = arith.index_cast %get3A_47 : i32 to index
    %get3A_49 = arith.constant 32 : index
    %get3A_50 = tpu.vector_load %arg5[%get3A_48, %get3A_49] {strides = array<i32>} : memref<80x128xi32, #tpu.memory_space<vmem>>, vector<1x16xi32>,
    %get3A_51 = vector.shape_cast %get3A_50 : vector<1x16xi32> to vector<16xi32>
    %and3A_52 = arith.constant 65535 : i32
    %and3A_53 = vector.broadcast %and3A_52 : i32 to vector<16xi32>
    %and3A_54 = arith.andi %get3A_51, %and3A_53 : vector<16xi32>
    %swap3A_55 = arith.constant 0 : i32
    %swap3A_56 = arith.index_cast %swap3A_55 : i32 to index
    %swap3A_57 = arith.constant 32 : index
    %swap3A_58 = tpu.vector_load %arg6[%swap3A_56, %swap3A_57] {strides = array<i32>} : memref<2x128xi32, #tpu.memory_space<vmem>>, vector<1x16xi32>,
    %swap3A_59 = vector.shape_cast %swap3A_58 : vector<1x16xi32> to vector<16xi32>
    %swap3A_60 = vector.shape_cast %and3A_54 : vector<16xi32> to vector<1x16xi32>
    tpu.vector_store %arg6[%swap3A_56, %swap3A_57], %swap3A_60 {strides = array<i32>} : memref<2x128xi32, #tpu.memory_space<vmem>>, vector<1x16xi32>,
    %shift_right_logical3A_61 = arith.constant 16 : i32
    %shift_right_logical3A_62 = vector.broadcast %shift_right_logical3A_61 : i32 to vector<16xi32>
    %shift_right_logical3A_63 = arith.shrui %get3A_51, %shift_right_logical3A_62 : vector<16xi32>
    %swap3A_64 = arith.constant 0 : i32
    %swap3A_65 = arith.index_cast %swap3A_64 : i32 to index
    %swap3A_66 = arith.constant 32 : index
    %swap3A_67 = tpu.vector_load %arg7[%swap3A_65, %swap3A_66] {strides = array<i32>} : memref<2x128xi32, #tpu.memory_space<vmem>>, vector<1x16xi32>,
    %swap3A_68 = vector.shape_cast %swap3A_67 : vector<1x16xi32> to vector<16xi32>
    %swap3A_69 = vector.shape_cast %shift_right_logical3A_63 : vector<16xi32> to vector<1x16xi32>
    tpu.vector_store %arg7[%swap3A_65, %swap3A_66], %swap3A_69 {strides = array<i32>} : memref<2x128xi32, #tpu.memory_space<vmem>>, vector<1x16xi32>,
    %get3A_70 = arith.constant 0 : i32
    %get3A_71 = arith.index_cast %get3A_70 : i32 to index
    %get3A_72 = arith.constant 48 : index
    %get3A_73 = tpu.vector_load %arg5[%get3A_71, %get3A_72] {strides = array<i32>} : memref<80x128xi32, #tpu.memory_space<vmem>>, vector<1x16xi32>,
    %get3A_74 = vector.shape_cast %get3A_73 : vector<1x16xi32> to vector<16xi32>
    %and3A_75 = arith.constant 65535 : i32
    %and3A_76 = vector.broadcast %and3A_75 : i32 to vector<16xi32>
    %and3A_77 = arith.andi %get3A_74, %and3A_76 : vector<16xi32>
    %swap3A_78 = arith.constant 0 : i32
    %swap3A_79 = arith.index_cast %swap3A_78 : i32 to index
    %swap3A_80 = arith.constant 48 : index
    %swap3A_81 = tpu.vector_load %arg6[%swap3A_79, %swap3A_80] {strides = array<i32>} : memref<2x128xi32, #tpu.memory_space<vmem>>, vector<1x16xi32>,
    %swap3A_82 = vector.shape_cast %swap3A_81 : vector<1x16xi32> to vector<16xi32>
    %swap3A_83 = vector.shape_cast %and3A_77 : vector<16xi32> to vector<1x16xi32>
    tpu.vector_store %arg6[%swap3A_79, %swap3A_80], %swap3A_83 {strides = array<i32>} : memref<2x128xi32, #tpu.memory_space<vmem>>, vector<1x16xi32>,
    %shift_right_logical3A_84 = arith.constant 16 : i32
    %shift_right_logical3A_85 = vector.broadcast %shift_right_logical3A_84 : i32 to vector<16xi32>
    %shift_right_logical3A_86 = arith.shrui %get3A_74, %shift_right_logical3A_85 : vector<16xi32>
    %swap3A_87 = arith.constant 0 : i32
    %swap3A_88 = arith.index_cast %swap3A_87 : i32 to index
    %swap3A_89 = arith.constant 48 : index
    %swap3A_90 = tpu.vector_load %arg7[%swap3A_88, %swap3A_89] {strides = array<i32>} : memref<2x128xi32, #tpu.memory_space<vmem>>, vector<1x16xi32>,
    %swap3A_91 = vector.shape_cast %swap3A_90 : vector<1x16xi32> to vector<16xi32>
    %swap3A_92 = vector.shape_cast %shift_right_logical3A_86 : vector<16xi32> to vector<1x16xi32>
    tpu.vector_store %arg7[%swap3A_88, %swap3A_89], %swap3A_92 {strides = array<i32>} : memref<2x128xi32, #tpu.memory_space<vmem>>, vector<1x16xi32>,
    %get3A_93 = arith.constant 0 : i32
    %get3A_94 = arith.index_cast %get3A_93 : i32 to index
    %get3A_95 = arith.constant 64 : index
    %get3A_96 = tpu.vector_load %arg5[%get3A_94, %get3A_95] {strides = array<i32>} : memref<80x128xi32, #tpu.memory_space<vmem>>, vector<1x16xi32>,
    %get3A_97 = vector.shape_cast %get3A_96 : vector<1x16xi32> to vector<16xi32>
    %and3A_98 = arith.constant 65535 : i32
    %and3A_99 = vector.broadcast %and3A_98 : i32 to vector<16xi32>
    %and3A_100 = arith.andi %get3A_97, %and3A_99 : vector<16xi32>
    %swap3A_101 = arith.constant 0 : i32
    %swap3A_102 = arith.index_cast %swap3A_101 : i32 to index
    %swap3A_103 = arith.constant 64 : index
    %swap3A_104 = tpu.vector_load %arg6[%swap3A_102, %swap3A_103] {strides = array<i32>} : memref<2x128xi32, #tpu.memory_space<vmem>>, vector<1x16xi32>,
    %swap3A_105 = vector.shape_cast %swap3A_104 : vector<1x16xi32> to vector<16xi32>
    %swap3A_106 = vector.shape_cast %and3A_100 : vector<16xi32> to vector<1x16xi32>
    tpu.vector_store %arg6[%swap3A_102, %swap3A_103], %swap3A_106 {strides = array<i32>} : memref<2x128xi32, #tpu.memory_space<vmem>>, vector<1x16xi32>,
    %shift_right_logical3A_107 = arith.constant 16 : i32
    %shift_right_logical3A_108 = vector.broadcast %shift_right_logical3A_107 : i32 to vector<16xi32>
    %shift_right_logical3A_109 = arith.shrui %get3A_97, %shift_right_logical3A_108 : vector<16xi32>
    %swap3A_110 = arith.constant 0 : i32
    %swap3A_111 = arith.index_cast %swap3A_110 : i32 to index
    %swap3A_112 = arith.constant 64 : index
    %swap3A_113 = tpu.vector_load %arg7[%swap3A_111, %swap3A_112] {strides = array<i32>} : memref<2x128xi32, #tpu.memory_space<vmem>>, vector<1x16xi32>,
    %swap3A_114 = vector.shape_cast %swap3A_113 : vector<1x16xi32> to vector<16xi32>
    %swap3A_115 = vector.shape_cast %shift_right_logical3A_109 : vector<16xi32> to vector<1x16xi32>
    tpu.vector_store %arg7[%swap3A_111, %swap3A_112], %swap3A_115 {strides = array<i32>} : memref<2x128xi32, #tpu.memory_space<vmem>>, vector<1x16xi32>,
    %get3A_116 = arith.constant 0 : i32
    %get3A_117 = arith.index_cast %get3A_116 : i32 to index
    %get3A_118 = arith.constant 80 : index
    %get3A_119 = tpu.vector_load %arg5[%get3A_117, %get3A_118] {strides = array<i32>} : memref<80x128xi32, #tpu.memory_space<vmem>>, vector<1x16xi32>,
    %get3A_120 = vector.shape_cast %get3A_119 : vector<1x16xi32> to vector<16xi32>
    %and3A_121 = arith.constant 65535 : i32
    %and3A_122 = vector.broadcast %and3A_121 : i32 to vector<16xi32>
    %and3A_123 = arith.andi %get3A_120, %and3A_122 : vector<16xi32>
    %swap3A_124 = arith.constant 0 : i32
    %swap3A_125 = arith.index_cast %swap3A_124 : i32 to index
    %swap3A_126 = arith.constant 80 : index
    %swap3A_127 = tpu.vector_load %arg6[%swap3A_125, %swap3A_126] {strides = array<i32>} : memref<2x128xi32, #tpu.memory_space<vmem>>, vector<1x16xi32>,
    %swap3A_128 = vector.shape_cast %swap3A_127 : vector<1x16xi32> to vector<16xi32>
    %swap3A_129 = vector.shape_cast %and3A_123 : vector<16xi32> to vector<1x16xi32>
    tpu.vector_store %arg6[%swap3A_125, %swap3A_126], %swap3A_129 {strides = array<i32>} : memref<2x128xi32, #tpu.memory_space<vmem>>, vector<1x16xi32>,
    %shift_right_logical3A_130 = arith.constant 16 : i32
    %shift_right_logical3A_131 = vector.broadcast %shift_right_logical3A_130 : i32 to vector<16xi32>
    %shift_right_logical3A_132 = arith.shrui %get3A_120, %shift_right_logical3A_131 : vector<16xi32>
    %swap3A_133 = arith.constant 0 : i32
    %swap3A_134 = arith.index_cast %swap3A_133 : i32 to index
    %swap3A_135 = arith.constant 80 : index
    %swap3A_136 = tpu.vector_load %arg7[%swap3A_134, %swap3A_135] {strides = array<i32>} : memref<2x128xi32, #tpu.memory_space<vmem>>, vector<1x16xi32>,
    %swap3A_137 = vector.shape_cast %swap3A_136 : vector<1x16xi32> to vector<16xi32>
    %swap3A_138 = vector.shape_cast %shift_right_logical3A_132 : vector<16xi32> to vector<1x16xi32>
    tpu.vector_store %arg7[%swap3A_134, %swap3A_135], %swap3A_138 {strides = array<i32>} : memref<2x128xi32, #tpu.memory_space<vmem>>, vector<1x16xi32>,
    %get3A_139 = arith.constant 0 : i32
    %get3A_140 = arith.index_cast %get3A_139 : i32 to index
    %get3A_141 = arith.constant 96 : index
    %get3A_142 = tpu.vector_load %arg5[%get3A_140, %get3A_141] {strides = array<i32>} : memref<80x128xi32, #tpu.memory_space<vmem>>, vector<1x16xi32>,
    %get3A_143 = vector.shape_cast %get3A_142 : vector<1x16xi32> to vector<16xi32>
    %and3A_144 = arith.constant 65535 : i32
    %and3A_145 = vector.broadcast %and3A_144 : i32 to vector<16xi32>
    %and3A_146 = arith.andi %get3A_143, %and3A_145 : vector<16xi32>
    %swap3A_147 = arith.constant 0 : i32
    %swap3A_148 = arith.index_cast %swap3A_147 : i32 to index
    %swap3A_149 = arith.constant 96 : index
    %swap3A_150 = tpu.vector_load %arg6[%swap3A_148, %swap3A_149] {strides = array<i32>} : memref<2x128xi32, #tpu.memory_space<vmem>>, vector<1x16xi32>,
    %swap3A_151 = vector.shape_cast %swap3A_150 : vector<1x16xi32> to vector<16xi32>
    %swap3A_152 = vector.shape_cast %and3A_146 : vector<16xi32> to vector<1x16xi32>
    tpu.vector_store %arg6[%swap3A_148, %swap3A_149], %swap3A_152 {strides = array<i32>} : memref<2x128xi32, #tpu.memory_space<vmem>>, vector<1x16xi32>,
    %shift_right_logical3A_153 = arith.constant 16 : i32
    %shift_right_logical3A_154 = vector.broadcast %shift_right_logical3A_153 : i32 to vector<16xi32>
    %shift_right_logical3A_155 = arith.shrui %get3A_143, %shift_right_logical3A_154 : vector<16xi32>
    %swap3A_156 = arith.constant 0 : i32
    %swap3A_157 = arith.index_cast %swap3A_156 : i32 to index
    %swap3A_158 = arith.constant 96 : index
    %swap3A_159 = tpu.vector_load %arg7[%swap3A_157, %swap3A_158] {strides = array<i32>} : memref<2x128xi32, #tpu.memory_space<vmem>>, vector<1x16xi32>,
    %swap3A_160 = vector.shape_cast %swap3A_159 : vector<1x16xi32> to vector<16xi32>
    %swap3A_161 = vector.shape_cast %shift_right_logical3A_155 : vector<16xi32> to vector<1x16xi32>
    tpu.vector_store %arg7[%swap3A_157, %swap3A_158], %swap3A_161 {strides = array<i32>} : memref<2x128xi32, #tpu.memory_space<vmem>>, vector<1x16xi32>,
    %get3A_162 = arith.constant 0 : i32
    %get3A_163 = arith.index_cast %get3A_162 : i32 to index
    %get3A_164 = arith.constant 112 : index
    %get3A_165 = tpu.vector_load %arg5[%get3A_163, %get3A_164] {strides = array<i32>} : memref<80x128xi32, #tpu.memory_space<vmem>>, vector<1x16xi32>,
    %get3A_166 = vector.shape_cast %get3A_165 : vector<1x16xi32> to vector<16xi32>
    %and3A_167 = arith.constant 65535 : i32
    %and3A_168 = vector.broadcast %and3A_167 : i32 to vector<16xi32>
    %and3A_169 = arith.andi %get3A_166, %and3A_168 : vector<16xi32>
    %swap3A_170 = arith.constant 0 : i32
    %swap3A_171 = arith.index_cast %swap3A_170 : i32 to index
    %swap3A_172 = arith.constant 112 : index
    %swap3A_173 = tpu.vector_load %arg6[%swap3A_171, %swap3A_172] {strides = array<i32>} : memref<2x128xi32, #tpu.memory_space<vmem>>, vector<1x16xi32>,
    %swap3A_174 = vector.shape_cast %swap3A_173 : vector<1x16xi32> to vector<16xi32>
    %swap3A_175 = vector.shape_cast %and3A_169 : vector<16xi32> to vector<1x16xi32>
    tpu.vector_store %arg6[%swap3A_171, %swap3A_172], %swap3A_175 {strides = array<i32>} : memref<2x128xi32, #tpu.memory_space<vmem>>, vector<1x16xi32>,
    %shift_right_logical3A_176 = arith.constant 16 : i32
    %shift_right_logical3A_177 = vector.broadcast %shift_right_logical3A_176 : i32 to vector<16xi32>
    %shift_right_logical3A_178 = arith.shrui %get3A_166, %shift_right_logical3A_177 : vector<16xi32>
    %swap3A_179 = arith.constant 0 : i32
    %swap3A_180 = arith.index_cast %swap3A_179 : i32 to index
    %swap3A_181 = arith.constant 112 : index
    %swap3A_182 = tpu.vector_load %arg7[%swap3A_180, %swap3A_181] {strides = array<i32>} : memref<2x128xi32, #tpu.memory_space<vmem>>, vector<1x16xi32>,
    %swap3A_183 = vector.shape_cast %swap3A_182 : vector<1x16xi32> to vector<16xi32>
    %swap3A_184 = vector.shape_cast %shift_right_logical3A_178 : vector<16xi32> to vector<1x16xi32>
    tpu.vector_store %arg7[%swap3A_180, %swap3A_181], %swap3A_184 {strides = array<i32>} : memref<2x128xi32, #tpu.memory_space<vmem>>, vector<1x16xi32>,
    %dma_start3A = arith.constant 0 : i32
    %dma_start3A_185 = arith.constant 0 : i32
    %dma_start3A_186 = arith.constant 0 : i32
    %dma_start3A_187 = arith.constant 0 : i32
    %dma_start3A_188 = tpu.memref_slice %arg8[%dma_start3A_185, %dma_start3A_186, %dma_start3A_187] : memref<2x128x128xf32, #tpu.memory_space<vmem>> -> memref<1x128x128xf32, #tpu.memory_space<vmem>>
    %dma_start3A_189 = tpu.memref_squeeze %dma_start3A_188 : memref<1x128x128xf32, #tpu.memory_space<vmem>> -> memref<128x128xf32, #tpu.memory_space<vmem>>
    %dma_start3A_190 = arith.constant 0 : i32
    %dma_start3A_191 = tpu.memref_slice %arg6[%dma_start3A, %dma_start3A_190] : memref<2x128xi32, #tpu.memory_space<vmem>> -> memref<1x128xi32, #tpu.memory_space<vmem>>
    %dma_start3A_192 = tpu.memref_squeeze %dma_start3A_191 : memref<1x128xi32, #tpu.memory_space<vmem>> -> memref<128xi32, #tpu.memory_space<vmem>>
    %dma_start3A_193 = arith.constant 0 : i32
    %dma_start3A_194 = arith.constant 0 : i32
    %dma_start3A_195 = tpu.memref_slice %arg2[%dma_start3A_193, %dma_start3A_194] : memref<10000x128xf32, #tpu.memory_space<hbm>> -> memref<10000x128xf32, #tpu.memory_space<hbm>>
    tpu.enqueue_indirect_dma source(%dma_start3A_195 : memref<10000x128xf32, #tpu.memory_space<hbm>>) target(%dma_start3A_189 : memref<128x128xf32, #tpu.memory_space<vmem>>) offsets(%dma_start3A_192 : memref<128xi32, #tpu.memory_space<vmem>>) semaphore(%arg11 : memref<!tpu.dma_semaphore, #tpu.memory_space<semaphore_mem>>)
    %broadcast_in_dim3A = arith.constant 0.000000e+00 : f32
    %broadcast_in_dim3A_196 = vector.broadcast %broadcast_in_dim3A : f32 to vector<16xf32>
    %scan3A = arith.constant 0 : i32
    %scan3A_197 = arith.constant 0 : i32
    %scan3A_198 = arith.constant 16 : i32
    %scan3A_199 = arith.addi %scan3A_197, %scan3A_198 : i32
    %scan3A_200 = arith.constant 1 : i32
    %scan3A_201 = scf.for %scan3A_299 = %scan3A_197 to %scan3A_199 step %scan3A_200 iter_args(%scan3A_300 = %scan3A) -> (i32)  : i32 {
      %swap3A_301 = arith.index_cast %scan3A_299 : i32 to index
      %swap3A_302 = arith.constant 0 : index
      %swap3A_303 = tpu.vector_load %arg9[%swap3A_301, %swap3A_302] {strides = array<i32>} : memref<16x128xf32, #tpu.memory_space<vmem>>, vector<1x16xf32>,
      %swap3A_304 = vector.shape_cast %swap3A_303 : vector<1x16xf32> to vector<16xf32>
      %swap3A_305 = vector.shape_cast %broadcast_in_dim3A_196 : vector<16xf32> to vector<1x16xf32>
      tpu.vector_store %arg9[%swap3A_301, %swap3A_302], %swap3A_305 {strides = array<i32>} : memref<16x128xf32, #tpu.memory_space<vmem>>, vector<1x16xf32>,
      %swap3A_306 = arith.index_cast %scan3A_299 : i32 to index
      %swap3A_307 = arith.constant 16 : index
      %swap3A_308 = tpu.vector_load %arg9[%swap3A_306, %swap3A_307] {strides = array<i32>} : memref<16x128xf32, #tpu.memory_space<vmem>>, vector<1x16xf32>,
      %swap3A_309 = vector.shape_cast %swap3A_308 : vector<1x16xf32> to vector<16xf32>
      %swap3A_310 = vector.shape_cast %broadcast_in_dim3A_196 : vector<16xf32> to vector<1x16xf32>
      tpu.vector_store %arg9[%swap3A_306, %swap3A_307], %swap3A_310 {strides = array<i32>} : memref<16x128xf32, #tpu.memory_space<vmem>>, vector<1x16xf32>,
      %swap3A_311 = arith.index_cast %scan3A_299 : i32 to index
      %swap3A_312 = arith.constant 32 : index
      %swap3A_313 = tpu.vector_load %arg9[%swap3A_311, %swap3A_312] {strides = array<i32>} : memref<16x128xf32, #tpu.memory_space<vmem>>, vector<1x16xf32>,
      %swap3A_314 = vector.shape_cast %swap3A_313 : vector<1x16xf32> to vector<16xf32>
      %swap3A_315 = vector.shape_cast %broadcast_in_dim3A_196 : vector<16xf32> to vector<1x16xf32>
      tpu.vector_store %arg9[%swap3A_311, %swap3A_312], %swap3A_315 {strides = array<i32>} : memref<16x128xf32, #tpu.memory_space<vmem>>, vector<1x16xf32>,
      %swap3A_316 = arith.index_cast %scan3A_299 : i32 to index
      %swap3A_317 = arith.constant 48 : index
      %swap3A_318 = tpu.vector_load %arg9[%swap3A_316, %swap3A_317] {strides = array<i32>} : memref<16x128xf32, #tpu.memory_space<vmem>>, vector<1x16xf32>,
      %swap3A_319 = vector.shape_cast %swap3A_318 : vector<1x16xf32> to vector<16xf32>
      %swap3A_320 = vector.shape_cast %broadcast_in_dim3A_196 : vector<16xf32> to vector<1x16xf32>
      tpu.vector_store %arg9[%swap3A_316, %swap3A_317], %swap3A_320 {strides = array<i32>} : memref<16x128xf32, #tpu.memory_space<vmem>>, vector<1x16xf32>,
      %swap3A_321 = arith.index_cast %scan3A_299 : i32 to index
      %swap3A_322 = arith.constant 64 : index
      %swap3A_323 = tpu.vector_load %arg9[%swap3A_321, %swap3A_322] {strides = array<i32>} : memref<16x128xf32, #tpu.memory_space<vmem>>, vector<1x16xf32>,
      %swap3A_324 = vector.shape_cast %swap3A_323 : vector<1x16xf32> to vector<16xf32>
      %swap3A_325 = vector.shape_cast %broadcast_in_dim3A_196 : vector<16xf32> to vector<1x16xf32>
      tpu.vector_store %arg9[%swap3A_321, %swap3A_322], %swap3A_325 {strides = array<i32>} : memref<16x128xf32, #tpu.memory_space<vmem>>, vector<1x16xf32>,
      %swap3A_326 = arith.index_cast %scan3A_299 : i32 to index
      %swap3A_327 = arith.constant 80 : index
      %swap3A_328 = tpu.vector_load %arg9[%swap3A_326, %swap3A_327] {strides = array<i32>} : memref<16x128xf32, #tpu.memory_space<vmem>>, vector<1x16xf32>,
      %swap3A_329 = vector.shape_cast %swap3A_328 : vector<1x16xf32> to vector<16xf32>
      %swap3A_330 = vector.shape_cast %broadcast_in_dim3A_196 : vector<16xf32> to vector<1x16xf32>
      tpu.vector_store %arg9[%swap3A_326, %swap3A_327], %swap3A_330 {strides = array<i32>} : memref<16x128xf32, #tpu.memory_space<vmem>>, vector<1x16xf32>,
      %swap3A_331 = arith.index_cast %scan3A_299 : i32 to index
      %swap3A_332 = arith.constant 96 : index
      %swap3A_333 = tpu.vector_load %arg9[%swap3A_331, %swap3A_332] {strides = array<i32>} : memref<16x128xf32, #tpu.memory_space<vmem>>, vector<1x16xf32>,
      %swap3A_334 = vector.shape_cast %swap3A_333 : vector<1x16xf32> to vector<16xf32>
      %swap3A_335 = vector.shape_cast %broadcast_in_dim3A_196 : vector<16xf32> to vector<1x16xf32>
      tpu.vector_store %arg9[%swap3A_331, %swap3A_332], %swap3A_335 {strides = array<i32>} : memref<16x128xf32, #tpu.memory_space<vmem>>, vector<1x16xf32>,
      %swap3A_336 = arith.index_cast %scan3A_299 : i32 to index
      %swap3A_337 = arith.constant 112 : index
      %swap3A_338 = tpu.vector_load %arg9[%swap3A_336, %swap3A_337] {strides = array<i32>} : memref<16x128xf32, #tpu.memory_space<vmem>>, vector<1x16xf32>,
      %swap3A_339 = vector.shape_cast %swap3A_338 : vector<1x16xf32> to vector<16xf32>
      %swap3A_340 = vector.shape_cast %broadcast_in_dim3A_196 : vector<16xf32> to vector<1x16xf32>
      tpu.vector_store %arg9[%swap3A_336, %swap3A_337], %swap3A_340 {strides = array<i32>} : memref<16x128xf32, #tpu.memory_space<vmem>>, vector<1x16xf32>,
      %scan3A_341 = arith.constant 0 : i32
      scf.yield %scan3A_341 : i32
    }
    %scan3A_202 = arith.constant 16 : i32
    %eq3A_203 = arith.constant 15 : i32
    %eq3A_204 = arith.cmpi eq, %arg1, %eq3A_203 : i32
    %jit3A_205 = arith.constant 1 : i32
    %jit3A_206 = arith.constant 0 : i32
    %select_n3A_207 = arith.select %eq3A_204, %jit3A_205, %jit3A_206 : i32
    %add3A_208 = arith.constant 39 : i32
    %add3A_209 = arith.addi %add3A_208, %select_n3A_207 : i32
    %while3A = arith.constant 0 : i32
    %while3A_210 = arith.constant 0 : i32
    %while3A_211 = arith.subi %add3A_209, %while3A : i32
    %while3A_212 = arith.addi %while3A, %while3A_211 : i32
    %while3A_213 = arith.constant 1 : i32
    %while3A_214 = arith.divsi %while3A_211, %while3A_213 : i32
    %while3A_215 = arith.muli %while3A_214, %while3A_213 : i32
    %while3A_216 = arith.addi %while3A, %while3A_215 : i32
    %while3A_217 = arith.constant 1 : i32
    %while3A_218 = scf.for %while3A_299 = %while3A to %while3A_216 step %while3A_217 iter_args(%while3A_300 = %while3A_210) -> (i32)  : i32 {
      %mul3A_301 = arith.constant 624 : i32
      %mul3A_302 = arith.muli %arg1, %mul3A_301 : i32
      %mul3A_303 = arith.constant 16 : i32
      %mul3A_304 = arith.muli %while3A_299, %mul3A_303 : i32
      %add3A_305 = arith.addi %mul3A_302, %mul3A_304 : i32
      %dma_start3A_306 = arith.constant 0 : i32
      %dma_start3A_307 = tpu.memref_slice %arg10[%add3A_305, %dma_start3A_306] : memref<10000x128xf32, #tpu.memory_space<vmem_shared>> -> memref<16x128xf32, #tpu.memory_space<vmem_shared>>
      %dma_start3A_308 = arith.constant 0 : i32
      %dma_start3A_309 = tpu.memref_slice %arg10[%add3A_305, %dma_start3A_308] : memref<10000x128xf32, #tpu.memory_space<vmem_shared>> -> memref<16x128xf32, #tpu.memory_space<vmem_shared>>
      tpu.enqueue_dma source(%arg9 : memref<16x128xf32, #tpu.memory_space<vmem>>) target(%dma_start3A_309 : memref<16x128xf32, #tpu.memory_space<vmem_shared>>) target_semaphore(%arg15 : memref<!tpu.dma_semaphore, #tpu.memory_space<semaphore_mem>>)
      %while3A_310 = arith.constant 0 : i32
      scf.yield %while3A_310 : i32
    }
    %while3A_219 = arith.constant 1 : i32
    %while3A_220 = scf.for %while3A_299 = %while3A_216 to %while3A_212 step %while3A_219 iter_args(%while3A_300 = %while3A_218) -> (i32)  : i32 {
      %mul3A_301 = arith.constant 624 : i32
      %mul3A_302 = arith.muli %arg1, %mul3A_301 : i32
      %mul3A_303 = arith.constant 16 : i32
      %mul3A_304 = arith.muli %while3A_299, %mul3A_303 : i32
      %add3A_305 = arith.addi %mul3A_302, %mul3A_304 : i32
      %dma_start3A_306 = arith.constant 0 : i32
      %dma_start3A_307 = tpu.memref_slice %arg10[%add3A_305, %dma_start3A_306] : memref<10000x128xf32, #tpu.memory_space<vmem_shared>> -> memref<16x128xf32, #tpu.memory_space<vmem_shared>>
      %dma_start3A_308 = arith.constant 0 : i32
      %dma_start3A_309 = tpu.memref_slice %arg10[%add3A_305, %dma_start3A_308] : memref<10000x128xf32, #tpu.memory_space<vmem_shared>> -> memref<16x128xf32, #tpu.memory_space<vmem_shared>>
      tpu.enqueue_dma source(%arg9 : memref<16x128xf32, #tpu.memory_space<vmem>>) target(%dma_start3A_309 : memref<16x128xf32, #tpu.memory_space<vmem_shared>>) target_semaphore(%arg15 : memref<!tpu.dma_semaphore, #tpu.memory_space<semaphore_mem>>)
      %while3A_310 = arith.constant 0 : i32
      scf.yield %while3A_310 : i32
    }
    %while3A_221 = arith.constant 0 : i32
    %while3A_222 = arith.constant 0 : i32
    %while3A_223 = arith.subi %add3A_209, %while3A_221 : i32
    %while3A_224 = arith.addi %while3A_221, %while3A_223 : i32
    %while3A_225 = arith.constant 1 : i32
    %while3A_226 = arith.divsi %while3A_223, %while3A_225 : i32
    %while3A_227 = arith.muli %while3A_226, %while3A_225 : i32
    %while3A_228 = arith.addi %while3A_221, %while3A_227 : i32
    %while3A_229 = arith.constant 1 : i32
    %while3A_230 = scf.for %while3A_299 = %while3A_221 to %while3A_228 step %while3A_229 iter_args(%while3A_300 = %while3A_222) -> (i32)  : i32 {
      %mul3A_301 = arith.constant 624 : i32
      %mul3A_302 = arith.muli %arg1, %mul3A_301 : i32
      %dma_wait3A_303 = arith.constant 0 : i32
      %dma_wait3A_304 = tpu.memref_slice %arg10[%mul3A_302, %dma_wait3A_303] : memref<10000x128xf32, #tpu.memory_space<vmem_shared>> -> memref<16x128xf32, #tpu.memory_space<vmem_shared>>
      %dma_wait3A_305 = arith.constant 0 : i32
      %dma_wait3A_306 = tpu.memref_slice %arg10[%mul3A_302, %dma_wait3A_305] : memref<10000x128xf32, #tpu.memory_space<vmem_shared>> -> memref<16x128xf32, #tpu.memory_space<vmem_shared>>
      tpu.wait_dma2 semaphore(%arg15 : memref<!tpu.dma_semaphore, #tpu.memory_space<semaphore_mem>>) src(%arg9 : memref<16x128xf32, #tpu.memory_space<vmem>>) dst(%dma_wait3A_306 : memref<16x128xf32, #tpu.memory_space<vmem_shared>>)
      %while3A_307 = arith.constant 0 : i32
      scf.yield %while3A_307 : i32
    }
    %while3A_231 = arith.constant 1 : i32
    %while3A_232 = scf.for %while3A_299 = %while3A_228 to %while3A_224 step %while3A_231 iter_args(%while3A_300 = %while3A_230) -> (i32)  : i32 {
      %mul3A_301 = arith.constant 624 : i32
      %mul3A_302 = arith.muli %arg1, %mul3A_301 : i32
      %dma_wait3A_303 = arith.constant 0 : i32
      %dma_wait3A_304 = tpu.memref_slice %arg10[%mul3A_302, %dma_wait3A_303] : memref<10000x128xf32, #tpu.memory_space<vmem_shared>> -> memref<16x128xf32, #tpu.memory_space<vmem_shared>>
      %dma_wait3A_305 = arith.constant 0 : i32
      %dma_wait3A_306 = tpu.memref_slice %arg10[%mul3A_302, %dma_wait3A_305] : memref<10000x128xf32, #tpu.memory_space<vmem_shared>> -> memref<16x128xf32, #tpu.memory_space<vmem_shared>>
      tpu.wait_dma2 semaphore(%arg15 : memref<!tpu.dma_semaphore, #tpu.memory_space<semaphore_mem>>) src(%arg9 : memref<16x128xf32, #tpu.memory_space<vmem>>) dst(%dma_wait3A_306 : memref<16x128xf32, #tpu.memory_space<vmem_shared>>)
      %while3A_307 = arith.constant 0 : i32
      scf.yield %while3A_307 : i32
    }
    %barrier3A = arith.constant 0 : index
    tpu.barrier barrier_id(%barrier3A)
    %add3A_233 = arith.constant 2 : i32
    %add3A_234 = arith.addi %select_n3A, %add3A_233 : i32
    %sub3A = arith.constant 1 : i32
    %sub3A_235 = arith.subi %add3A_234, %sub3A : i32
    %jit3A_236 = arith.constant 2 : i32
    %div3A = arith.divsi %sub3A_235, %jit3A_236 : i32
    %sign3A = arith.constant 0 : i32
    %sign3A_237 = arith.cmpi sgt, %sub3A_235, %sign3A : i32
    %sign3A_238 = arith.extui %sign3A_237 : i1 to i32
    %sign3A_239 = arith.constant 0 : i32
    %sign3A_240 = arith.cmpi slt, %sub3A_235, %sign3A_239 : i32
    %sign3A_241 = arith.extui %sign3A_240 : i1 to i32
    %sign3A_242 = arith.subi %sign3A_238, %sign3A_241 : i32
    %sign3A_243 = arith.constant 0 : i32
    %sign3A_244 = arith.cmpi sgt, %jit3A_236, %sign3A_243 : i32
    %sign3A_245 = arith.extui %sign3A_244 : i1 to i32
    %sign3A_246 = arith.constant 0 : i32
    %sign3A_247 = arith.cmpi slt, %jit3A_236, %sign3A_246 : i32
    %sign3A_248 = arith.extui %sign3A_247 : i1 to i32
    %sign3A_249 = arith.subi %sign3A_245, %sign3A_248 : i32
    %ne3A = arith.cmpi ne, %sign3A_242, %sign3A_249 : i32
    %rem3A = arith.remsi %sub3A_235, %jit3A_236 : i32
    %ne3A_250 = arith.constant 0 : i32
    %ne3A_251 = arith.cmpi ne, %rem3A, %ne3A_250 : i32
    %and3A_252 = arith.andi %ne3A, %ne3A_251 : i1
    %sub3A_253 = arith.constant 1 : i32
    %sub3A_254 = arith.subi %div3A, %sub3A_253 : i32
    %select_n3A_255 = arith.select %and3A_252, %sub3A_254, %div3A : i32
    %while3A_256 = arith.constant 0 : i32
    %while3A_257 = arith.constant 0 : i32
    %while3A_258 = arith.subi %select_n3A_255, %while3A_256 : i32
    %while3A_259 = arith.addi %while3A_256, %while3A_258 : i32
    %while3A_260 = arith.constant 1 : i32
    %while3A_261 = arith.divsi %while3A_258, %while3A_260 : i32
    %while3A_262 = arith.muli %while3A_261, %while3A_260 : i32
    %while3A_263 = arith.addi %while3A_256, %while3A_262 : i32
    %while3A_264 = arith.constant 1 : i32
    %while3A_265 = scf.for %while3A_299 = %while3A_256 to %while3A_263 step %while3A_264 iter_args(%while3A_300 = %while3A_257) -> (i32)  : i32 {
      %mul3A_301 = arith.constant 2 : i32
      %mul3A_302 = arith.muli %while3A_299, %mul3A_301 : i32
      %add3A_303 = arith.constant 0 : i32
      %add3A_304 = arith.addi %mul3A_302, %add3A_303 : i32
      %add3A_305 = arith.constant 1 : i32
      %add3A_306 = arith.addi %add3A_304, %add3A_305 : i32
      %lt3A = arith.cmpi slt, %add3A_306, %select_n3A : i32
      %convert_element_type3A_307 = arith.extui %lt3A : i1 to i32
      %cond3A_308 = arith.constant 0 : i32
      %cond3A_309 = arith.cmpi ne, %convert_element_type3A_307, %cond3A_308 : i32
      scf.if %cond3A_309 {
        %ge3A = arith.constant 1 : i32
        %ge3A_369 = arith.cmpi sge, %add3A_304, %ge3A : i32
        %convert_element_type3A_370 = arith.extui %ge3A_369 : i1 to i32
        %cond3A_371 = arith.constant 0 : i32
        %cond3A_372 = arith.cmpi ne, %convert_element_type3A_370, %cond3A_371 : i32
        scf.if %cond3A_372 {
          %dma_wait3A_563 = arith.constant 1 : i32
          %dma_wait3A_564 = arith.constant 1 : i32
          %dma_wait3A_565 = arith.constant 0 : i32
          %dma_wait3A_566 = arith.constant 0 : i32
          %dma_wait3A_567 = tpu.memref_slice %arg8[%dma_wait3A_563, %dma_wait3A_565, %dma_wait3A_566] : memref<2x128x128xf32, #tpu.memory_space<vmem>> -> memref<1x128x128xf32, #tpu.memory_space<vmem>>
          %dma_wait3A_568 = tpu.memref_squeeze %dma_wait3A_567 : memref<1x128x128xf32, #tpu.memory_space<vmem>> -> memref<128x128xf32, #tpu.memory_space<vmem>>
          %dma_wait3A_569 = arith.constant 0 : i32
          %dma_wait3A_570 = tpu.memref_slice %arg7[%dma_wait3A_564, %dma_wait3A_569] : memref<2x128xi32, #tpu.memory_space<vmem>> -> memref<1x128xi32, #tpu.memory_space<vmem>>
          %dma_wait3A_571 = tpu.memref_squeeze %dma_wait3A_570 : memref<1x128xi32, #tpu.memory_space<vmem>> -> memref<128xi32, #tpu.memory_space<vmem>>
          %dma_wait3A_572 = arith.constant 0 : i32
          %dma_wait3A_573 = arith.constant 0 : i32
          %dma_wait3A_574 = tpu.memref_slice %arg10[%dma_wait3A_572, %dma_wait3A_573] : memref<10000x128xf32, #tpu.memory_space<vmem_shared>> -> memref<10000x128xf32, #tpu.memory_space<vmem_shared>>
          tpu.wait_indirect_dma semaphore(%arg14 : memref<!tpu.dma_semaphore, #tpu.memory_space<semaphore_mem>>) src(%dma_wait3A_568 : memref<128x128xf32, #tpu.memory_space<vmem>>) dst(%dma_wait3A_574 : memref<10000x128xf32, #tpu.memory_space<vmem_shared>>)
        } else {
        }
        %add3A_373 = arith.constant 1 : i32
        %add3A_374 = arith.addi %add3A_304, %add3A_373 : i32
        %get3A_375 = arith.index_cast %add3A_374 : i32 to index
        %get3A_376 = arith.constant 0 : index
        %get3A_377 = tpu.vector_load %arg5[%get3A_375, %get3A_376] {strides = array<i32>} : memref<80x128xi32, #tpu.memory_space<vmem>>, vector<1x16xi32>,
        %get3A_378 = vector.shape_cast %get3A_377 : vector<1x16xi32> to vector<16xi32>
        %and3A_379 = arith.constant 65535 : i32
        %and3A_380 = vector.broadcast %and3A_379 : i32 to vector<16xi32>
        %and3A_381 = arith.andi %get3A_378, %and3A_380 : vector<16xi32>
        %swap3A_382 = arith.constant 1 : i32
        %swap3A_383 = arith.index_cast %swap3A_382 : i32 to index
        %swap3A_384 = arith.constant 0 : index
        %swap3A_385 = tpu.vector_load %arg6[%swap3A_383, %swap3A_384] {strides = array<i32>} : memref<2x128xi32, #tpu.memory_space<vmem>>, vector<1x16xi32>,
        %swap3A_386 = vector.shape_cast %swap3A_385 : vector<1x16xi32> to vector<16xi32>
        %swap3A_387 = vector.shape_cast %and3A_381 : vector<16xi32> to vector<1x16xi32>
        tpu.vector_store %arg6[%swap3A_383, %swap3A_384], %swap3A_387 {strides = array<i32>} : memref<2x128xi32, #tpu.memory_space<vmem>>, vector<1x16xi32>,
        %shift_right_logical3A_388 = arith.constant 16 : i32
        %shift_right_logical3A_389 = vector.broadcast %shift_right_logical3A_388 : i32 to vector<16xi32>
        %shift_right_logical3A_390 = arith.shrui %get3A_378, %shift_right_logical3A_389 : vector<16xi32>
        %swap3A_391 = arith.constant 1 : i32
        %swap3A_392 = arith.index_cast %swap3A_391 : i32 to index
        %swap3A_393 = arith.constant 0 : index
        %swap3A_394 = tpu.vector_load %arg7[%swap3A_392, %swap3A_393] {strides = array<i32>} : memref<2x128xi32, #tpu.memory_space<vmem>>, vector<1x16xi32>,
        %swap3A_395 = vector.shape_cast %swap3A_394 : vector<1x16xi32> to vector<16xi32>
        %swap3A_396 = vector.shape_cast %shift_right_logical3A_390 : vector<16xi32> to vector<1x16xi32>
        tpu.vector_store %arg7[%swap3A_392, %swap3A_393], %swap3A_396 {strides = array<i32>} : memref<2x128xi32, #tpu.memory_space<vmem>>, vector<1x16xi32>,
        %get3A_397 = arith.index_cast %add3A_374 : i32 to index
        %get3A_398 = arith.constant 16 : index
        %get3A_399 = tpu.vector_load %arg5[%get3A_397, %get3A_398] {strides = array<i32>} : memref<80x128xi32, #tpu.memory_space<vmem>>, vector<1x16xi32>,
        %get3A_400 = vector.shape_cast %get3A_399 : vector<1x16xi32> to vector<16xi32>
        %and3A_401 = arith.constant 65535 : i32
        %and3A_402 = vector.broadcast %and3A_401 : i32 to vector<16xi32>
        %and3A_403 = arith.andi %get3A_400, %and3A_402 : vector<16xi32>
        %swap3A_404 = arith.constant 1 : i32
        %swap3A_405 = arith.index_cast %swap3A_404 : i32 to index
        %swap3A_406 = arith.constant 16 : index
        %swap3A_407 = tpu.vector_load %arg6[%swap3A_405, %swap3A_406] {strides = array<i32>} : memref<2x128xi32, #tpu.memory_space<vmem>>, vector<1x16xi32>,
        %swap3A_408 = vector.shape_cast %swap3A_407 : vector<1x16xi32> to vector<16xi32>
        %swap3A_409 = vector.shape_cast %and3A_403 : vector<16xi32> to vector<1x16xi32>
        tpu.vector_store %arg6[%swap3A_405, %swap3A_406], %swap3A_409 {strides = array<i32>} : memref<2x128xi32, #tpu.memory_space<vmem>>, vector<1x16xi32>,
        %shift_right_logical3A_410 = arith.constant 16 : i32
        %shift_right_logical3A_411 = vector.broadcast %shift_right_logical3A_410 : i32 to vector<16xi32>
        %shift_right_logical3A_412 = arith.shrui %get3A_400, %shift_right_logical3A_411 : vector<16xi32>
        %swap3A_413 = arith.constant 1 : i32
        %swap3A_414 = arith.index_cast %swap3A_413 : i32 to index
        %swap3A_415 = arith.constant 16 : index
        %swap3A_416 = tpu.vector_load %arg7[%swap3A_414, %swap3A_415] {strides = array<i32>} : memref<2x128xi32, #tpu.memory_space<vmem>>, vector<1x16xi32>,
        %swap3A_417 = vector.shape_cast %swap3A_416 : vector<1x16xi32> to vector<16xi32>
        %swap3A_418 = vector.shape_cast %shift_right_logical3A_412 : vector<16xi32> to vector<1x16xi32>
        tpu.vector_store %arg7[%swap3A_414, %swap3A_415], %swap3A_418 {strides = array<i32>} : memref<2x128xi32, #tpu.memory_space<vmem>>, vector<1x16xi32>,
        %get3A_419 = arith.index_cast %add3A_374 : i32 to index
        %get3A_420 = arith.constant 32 : index
        %get3A_421 = tpu.vector_load %arg5[%get3A_419, %get3A_420] {strides = array<i32>} : memref<80x128xi32, #tpu.memory_space<vmem>>, vector<1x16xi32>,
        %get3A_422 = vector.shape_cast %get3A_421 : vector<1x16xi32> to vector<16xi32>
        %and3A_423 = arith.constant 65535 : i32
        %and3A_424 = vector.broadcast %and3A_423 : i32 to vector<16xi32>
        %and3A_425 = arith.andi %get3A_422, %and3A_424 : vector<16xi32>
        %swap3A_426 = arith.constant 1 : i32
        %swap3A_427 = arith.index_cast %swap3A_426 : i32 to index
        %swap3A_428 = arith.constant 32 : index
        %swap3A_429 = tpu.vector_load %arg6[%swap3A_427, %swap3A_428] {strides = array<i32>} : memref<2x128xi32, #tpu.memory_space<vmem>>, vector<1x16xi32>,
        %swap3A_430 = vector.shape_cast %swap3A_429 : vector<1x16xi32> to vector<16xi32>
        %swap3A_431 = vector.shape_cast %and3A_425 : vector<16xi32> to vector<1x16xi32>
        tpu.vector_store %arg6[%swap3A_427, %swap3A_428], %swap3A_431 {strides = array<i32>} : memref<2x128xi32, #tpu.memory_space<vmem>>, vector<1x16xi32>,
        %shift_right_logical3A_432 = arith.constant 16 : i32
        %shift_right_logical3A_433 = vector.broadcast %shift_right_logical3A_432 : i32 to vector<16xi32>
        %shift_right_logical3A_434 = arith.shrui %get3A_422, %shift_right_logical3A_433 : vector<16xi32>
        %swap3A_435 = arith.constant 1 : i32
        %swap3A_436 = arith.index_cast %swap3A_435 : i32 to index
        %swap3A_437 = arith.constant 32 : index
        %swap3A_438 = tpu.vector_load %arg7[%swap3A_436, %swap3A_437] {strides = array<i32>} : memref<2x128xi32, #tpu.memory_space<vmem>>, vector<1x16xi32>,
        %swap3A_439 = vector.shape_cast %swap3A_438 : vector<1x16xi32> to vector<16xi32>
        %swap3A_440 = vector.shape_cast %shift_right_logical3A_434 : vector<16xi32> to vector<1x16xi32>
        tpu.vector_store %arg7[%swap3A_436, %swap3A_437], %swap3A_440 {strides = array<i32>} : memref<2x128xi32, #tpu.memory_space<vmem>>, vector<1x16xi32>,
        %get3A_441 = arith.index_cast %add3A_374 : i32 to index
        %get3A_442 = arith.constant 48 : index
        %get3A_443 = tpu.vector_load %arg5[%get3A_441, %get3A_442] {strides = array<i32>} : memref<80x128xi32, #tpu.memory_space<vmem>>, vector<1x16xi32>,
        %get3A_444 = vector.shape_cast %get3A_443 : vector<1x16xi32> to vector<16xi32>
        %and3A_445 = arith.constant 65535 : i32
        %and3A_446 = vector.broadcast %and3A_445 : i32 to vector<16xi32>
        %and3A_447 = arith.andi %get3A_444, %and3A_446 : vector<16xi32>
        %swap3A_448 = arith.constant 1 : i32
        %swap3A_449 = arith.index_cast %swap3A_448 : i32 to index
        %swap3A_450 = arith.constant 48 : index
        %swap3A_451 = tpu.vector_load %arg6[%swap3A_449, %swap3A_450] {strides = array<i32>} : memref<2x128xi32, #tpu.memory_space<vmem>>, vector<1x16xi32>,
        %swap3A_452 = vector.shape_cast %swap3A_451 : vector<1x16xi32> to vector<16xi32>
        %swap3A_453 = vector.shape_cast %and3A_447 : vector<16xi32> to vector<1x16xi32>
        tpu.vector_store %arg6[%swap3A_449, %swap3A_450], %swap3A_453 {strides = array<i32>} : memref<2x128xi32, #tpu.memory_space<vmem>>, vector<1x16xi32>,
        %shift_right_logical3A_454 = arith.constant 16 : i32
        %shift_right_logical3A_455 = vector.broadcast %shift_right_logical3A_454 : i32 to vector<16xi32>
        %shift_right_logical3A_456 = arith.shrui %get3A_444, %shift_right_logical3A_455 : vector<16xi32>
        %swap3A_457 = arith.constant 1 : i32
        %swap3A_458 = arith.index_cast %swap3A_457 : i32 to index
        %swap3A_459 = arith.constant 48 : index
        %swap3A_460 = tpu.vector_load %arg7[%swap3A_458, %swap3A_459] {strides = array<i32>} : memref<2x128xi32, #tpu.memory_space<vmem>>, vector<1x16xi32>,
        %swap3A_461 = vector.shape_cast %swap3A_460 : vector<1x16xi32> to vector<16xi32>
        %swap3A_462 = vector.shape_cast %shift_right_logical3A_456 : vector<16xi32> to vector<1x16xi32>
        tpu.vector_store %arg7[%swap3A_458, %swap3A_459], %swap3A_462 {strides = array<i32>} : memref<2x128xi32, #tpu.memory_space<vmem>>, vector<1x16xi32>,
        %get3A_463 = arith.index_cast %add3A_374 : i32 to index
        %get3A_464 = arith.constant 64 : index
        %get3A_465 = tpu.vector_load %arg5[%get3A_463, %get3A_464] {strides = array<i32>} : memref<80x128xi32, #tpu.memory_space<vmem>>, vector<1x16xi32>,
        %get3A_466 = vector.shape_cast %get3A_465 : vector<1x16xi32> to vector<16xi32>
        %and3A_467 = arith.constant 65535 : i32
        %and3A_468 = vector.broadcast %and3A_467 : i32 to vector<16xi32>
        %and3A_469 = arith.andi %get3A_466, %and3A_468 : vector<16xi32>
        %swap3A_470 = arith.constant 1 : i32
        %swap3A_471 = arith.index_cast %swap3A_470 : i32 to index
        %swap3A_472 = arith.constant 64 : index
        %swap3A_473 = tpu.vector_load %arg6[%swap3A_471, %swap3A_472] {strides = array<i32>} : memref<2x128xi32, #tpu.memory_space<vmem>>, vector<1x16xi32>,
        %swap3A_474 = vector.shape_cast %swap3A_473 : vector<1x16xi32> to vector<16xi32>
        %swap3A_475 = vector.shape_cast %and3A_469 : vector<16xi32> to vector<1x16xi32>
        tpu.vector_store %arg6[%swap3A_471, %swap3A_472], %swap3A_475 {strides = array<i32>} : memref<2x128xi32, #tpu.memory_space<vmem>>, vector<1x16xi32>,
        %shift_right_logical3A_476 = arith.constant 16 : i32
        %shift_right_logical3A_477 = vector.broadcast %shift_right_logical3A_476 : i32 to vector<16xi32>
        %shift_right_logical3A_478 = arith.shrui %get3A_466, %shift_right_logical3A_477 : vector<16xi32>
        %swap3A_479 = arith.constant 1 : i32
        %swap3A_480 = arith.index_cast %swap3A_479 : i32 to index
        %swap3A_481 = arith.constant 64 : index
        %swap3A_482 = tpu.vector_load %arg7[%swap3A_480, %swap3A_481] {strides = array<i32>} : memref<2x128xi32, #tpu.memory_space<vmem>>, vector<1x16xi32>,
        %swap3A_483 = vector.shape_cast %swap3A_482 : vector<1x16xi32> to vector<16xi32>
        %swap3A_484 = vector.shape_cast %shift_right_logical3A_478 : vector<16xi32> to vector<1x16xi32>
        tpu.vector_store %arg7[%swap3A_480, %swap3A_481], %swap3A_484 {strides = array<i32>} : memref<2x128xi32, #tpu.memory_space<vmem>>, vector<1x16xi32>,
        %get3A_485 = arith.index_cast %add3A_374 : i32 to index
        %get3A_486 = arith.constant 80 : index
        %get3A_487 = tpu.vector_load %arg5[%get3A_485, %get3A_486] {strides = array<i32>} : memref<80x128xi32, #tpu.memory_space<vmem>>, vector<1x16xi32>,
        %get3A_488 = vector.shape_cast %get3A_487 : vector<1x16xi32> to vector<16xi32>
        %and3A_489 = arith.constant 65535 : i32
        %and3A_490 = vector.broadcast %and3A_489 : i32 to vector<16xi32>
        %and3A_491 = arith.andi %get3A_488, %and3A_490 : vector<16xi32>
        %swap3A_492 = arith.constant 1 : i32
        %swap3A_493 = arith.index_cast %swap3A_492 : i32 to index
        %swap3A_494 = arith.constant 80 : index
        %swap3A_495 = tpu.vector_load %arg6[%swap3A_493, %swap3A_494] {strides = array<i32>} : memref<2x128xi32, #tpu.memory_space<vmem>>, vector<1x16xi32>,
        %swap3A_496 = vector.shape_cast %swap3A_495 : vector<1x16xi32> to vector<16xi32>
        %swap3A_497 = vector.shape_cast %and3A_491 : vector<16xi32> to vector<1x16xi32>
        tpu.vector_store %arg6[%swap3A_493, %swap3A_494], %swap3A_497 {strides = array<i32>} : memref<2x128xi32, #tpu.memory_space<vmem>>, vector<1x16xi32>,
        %shift_right_logical3A_498 = arith.constant 16 : i32
        %shift_right_logical3A_499 = vector.broadcast %shift_right_logical3A_498 : i32 to vector<16xi32>
        %shift_right_logical3A_500 = arith.shrui %get3A_488, %shift_right_logical3A_499 : vector<16xi32>
        %swap3A_501 = arith.constant 1 : i32
        %swap3A_502 = arith.index_cast %swap3A_501 : i32 to index
        %swap3A_503 = arith.constant 80 : index
        %swap3A_504 = tpu.vector_load %arg7[%swap3A_502, %swap3A_503] {strides = array<i32>} : memref<2x128xi32, #tpu.memory_space<vmem>>, vector<1x16xi32>,
        %swap3A_505 = vector.shape_cast %swap3A_504 : vector<1x16xi32> to vector<16xi32>
        %swap3A_506 = vector.shape_cast %shift_right_logical3A_500 : vector<16xi32> to vector<1x16xi32>
        tpu.vector_store %arg7[%swap3A_502, %swap3A_503], %swap3A_506 {strides = array<i32>} : memref<2x128xi32, #tpu.memory_space<vmem>>, vector<1x16xi32>,
        %get3A_507 = arith.index_cast %add3A_374 : i32 to index
        %get3A_508 = arith.constant 96 : index
        %get3A_509 = tpu.vector_load %arg5[%get3A_507, %get3A_508] {strides = array<i32>} : memref<80x128xi32, #tpu.memory_space<vmem>>, vector<1x16xi32>,
        %get3A_510 = vector.shape_cast %get3A_509 : vector<1x16xi32> to vector<16xi32>
        %and3A_511 = arith.constant 65535 : i32
        %and3A_512 = vector.broadcast %and3A_511 : i32 to vector<16xi32>
        %and3A_513 = arith.andi %get3A_510, %and3A_512 : vector<16xi32>
        %swap3A_514 = arith.constant 1 : i32
        %swap3A_515 = arith.index_cast %swap3A_514 : i32 to index
        %swap3A_516 = arith.constant 96 : index
        %swap3A_517 = tpu.vector_load %arg6[%swap3A_515, %swap3A_516] {strides = array<i32>} : memref<2x128xi32, #tpu.memory_space<vmem>>, vector<1x16xi32>,
        %swap3A_518 = vector.shape_cast %swap3A_517 : vector<1x16xi32> to vector<16xi32>
        %swap3A_519 = vector.shape_cast %and3A_513 : vector<16xi32> to vector<1x16xi32>
        tpu.vector_store %arg6[%swap3A_515, %swap3A_516], %swap3A_519 {strides = array<i32>} : memref<2x128xi32, #tpu.memory_space<vmem>>, vector<1x16xi32>,
        %shift_right_logical3A_520 = arith.constant 16 : i32
        %shift_right_logical3A_521 = vector.broadcast %shift_right_logical3A_520 : i32 to vector<16xi32>
        %shift_right_logical3A_522 = arith.shrui %get3A_510, %shift_right_logical3A_521 : vector<16xi32>
        %swap3A_523 = arith.constant 1 : i32
        %swap3A_524 = arith.index_cast %swap3A_523 : i32 to index
        %swap3A_525 = arith.constant 96 : index
        %swap3A_526 = tpu.vector_load %arg7[%swap3A_524, %swap3A_525] {strides = array<i32>} : memref<2x128xi32, #tpu.memory_space<vmem>>, vector<1x16xi32>,
        %swap3A_527 = vector.shape_cast %swap3A_526 : vector<1x16xi32> to vector<16xi32>
        %swap3A_528 = vector.shape_cast %shift_right_logical3A_522 : vector<16xi32> to vector<1x16xi32>
        tpu.vector_store %arg7[%swap3A_524, %swap3A_525], %swap3A_528 {strides = array<i32>} : memref<2x128xi32, #tpu.memory_space<vmem>>, vector<1x16xi32>,
        %get3A_529 = arith.index_cast %add3A_374 : i32 to index
        %get3A_530 = arith.constant 112 : index
        %get3A_531 = tpu.vector_load %arg5[%get3A_529, %get3A_530] {strides = array<i32>} : memref<80x128xi32, #tpu.memory_space<vmem>>, vector<1x16xi32>,
        %get3A_532 = vector.shape_cast %get3A_531 : vector<1x16xi32> to vector<16xi32>
        %and3A_533 = arith.constant 65535 : i32
        %and3A_534 = vector.broadcast %and3A_533 : i32 to vector<16xi32>
        %and3A_535 = arith.andi %get3A_532, %and3A_534 : vector<16xi32>
        %swap3A_536 = arith.constant 1 : i32
        %swap3A_537 = arith.index_cast %swap3A_536 : i32 to index
        %swap3A_538 = arith.constant 112 : index
        %swap3A_539 = tpu.vector_load %arg6[%swap3A_537, %swap3A_538] {strides = array<i32>} : memref<2x128xi32, #tpu.memory_space<vmem>>, vector<1x16xi32>,
        %swap3A_540 = vector.shape_cast %swap3A_539 : vector<1x16xi32> to vector<16xi32>
        %swap3A_541 = vector.shape_cast %and3A_535 : vector<16xi32> to vector<1x16xi32>
        tpu.vector_store %arg6[%swap3A_537, %swap3A_538], %swap3A_541 {strides = array<i32>} : memref<2x128xi32, #tpu.memory_space<vmem>>, vector<1x16xi32>,
        %shift_right_logical3A_542 = arith.constant 16 : i32
        %shift_right_logical3A_543 = vector.broadcast %shift_right_logical3A_542 : i32 to vector<16xi32>
        %shift_right_logical3A_544 = arith.shrui %get3A_532, %shift_right_logical3A_543 : vector<16xi32>
        %swap3A_545 = arith.constant 1 : i32
        %swap3A_546 = arith.index_cast %swap3A_545 : i32 to index
        %swap3A_547 = arith.constant 112 : index
        %swap3A_548 = tpu.vector_load %arg7[%swap3A_546, %swap3A_547] {strides = array<i32>} : memref<2x128xi32, #tpu.memory_space<vmem>>, vector<1x16xi32>,
        %swap3A_549 = vector.shape_cast %swap3A_548 : vector<1x16xi32> to vector<16xi32>
        %swap3A_550 = vector.shape_cast %shift_right_logical3A_544 : vector<16xi32> to vector<1x16xi32>
        tpu.vector_store %arg7[%swap3A_546, %swap3A_547], %swap3A_550 {strides = array<i32>} : memref<2x128xi32, #tpu.memory_space<vmem>>, vector<1x16xi32>,
        %dma_start3A_551 = arith.constant 1 : i32
        %dma_start3A_552 = arith.constant 1 : i32
        %dma_start3A_553 = arith.constant 0 : i32
        %dma_start3A_554 = arith.constant 0 : i32
        %dma_start3A_555 = tpu.memref_slice %arg8[%dma_start3A_552, %dma_start3A_553, %dma_start3A_554] : memref<2x128x128xf32, #tpu.memory_space<vmem>> -> memref<1x128x128xf32, #tpu.memory_space<vmem>>
        %dma_start3A_556 = tpu.memref_squeeze %dma_start3A_555 : memref<1x128x128xf32, #tpu.memory_space<vmem>> -> memref<128x128xf32, #tpu.memory_space<vmem>>
        %dma_start3A_557 = arith.constant 0 : i32
        %dma_start3A_558 = tpu.memref_slice %arg6[%dma_start3A_551, %dma_start3A_557] : memref<2x128xi32, #tpu.memory_space<vmem>> -> memref<1x128xi32, #tpu.memory_space<vmem>>
        %dma_start3A_559 = tpu.memref_squeeze %dma_start3A_558 : memref<1x128xi32, #tpu.memory_space<vmem>> -> memref<128xi32, #tpu.memory_space<vmem>>
        %dma_start3A_560 = arith.constant 0 : i32
        %dma_start3A_561 = arith.constant 0 : i32
        %dma_start3A_562 = tpu.memref_slice %arg2[%dma_start3A_560, %dma_start3A_561] : memref<10000x128xf32, #tpu.memory_space<hbm>> -> memref<10000x128xf32, #tpu.memory_space<hbm>>
        tpu.enqueue_indirect_dma source(%dma_start3A_562 : memref<10000x128xf32, #tpu.memory_space<hbm>>) target(%dma_start3A_556 : memref<128x128xf32, #tpu.memory_space<vmem>>) offsets(%dma_start3A_559 : memref<128xi32, #tpu.memory_space<vmem>>) semaphore(%arg12 : memref<!tpu.dma_semaphore, #tpu.memory_space<semaphore_mem>>)
      } else {
      }
      %dma_wait3A_310 = arith.constant 0 : i32
      %dma_wait3A_311 = arith.constant 0 : i32
      %dma_wait3A_312 = arith.constant 0 : i32
      %dma_wait3A_313 = arith.constant 0 : i32
      %dma_wait3A_314 = tpu.memref_slice %arg8[%dma_wait3A_311, %dma_wait3A_312, %dma_wait3A_313] : memref<2x128x128xf32, #tpu.memory_space<vmem>> -> memref<1x128x128xf32, #tpu.memory_space<vmem>>
      %dma_wait3A_315 = tpu.memref_squeeze %dma_wait3A_314 : memref<1x128x128xf32, #tpu.memory_space<vmem>> -> memref<128x128xf32, #tpu.memory_space<vmem>>
      %dma_wait3A_316 = arith.constant 0 : i32
      %dma_wait3A_317 = tpu.memref_slice %arg6[%dma_wait3A_310, %dma_wait3A_316] : memref<2x128xi32, #tpu.memory_space<vmem>> -> memref<1x128xi32, #tpu.memory_space<vmem>>
      %dma_wait3A_318 = tpu.memref_squeeze %dma_wait3A_317 : memref<1x128xi32, #tpu.memory_space<vmem>> -> memref<128xi32, #tpu.memory_space<vmem>>
      %dma_wait3A_319 = arith.constant 0 : i32
      %dma_wait3A_320 = arith.constant 0 : i32
      %dma_wait3A_321 = tpu.memref_slice %arg2[%dma_wait3A_319, %dma_wait3A_320] : memref<10000x128xf32, #tpu.memory_space<hbm>> -> memref<10000x128xf32, #tpu.memory_space<hbm>>
      tpu.wait_indirect_dma semaphore(%arg11 : memref<!tpu.dma_semaphore, #tpu.memory_space<semaphore_mem>>) src(%dma_wait3A_321 : memref<10000x128xf32, #tpu.memory_space<hbm>>) dst(%dma_wait3A_315 : memref<128x128xf32, #tpu.memory_space<vmem>>)
      %dma_start3A_322 = arith.constant 0 : i32
      %dma_start3A_323 = arith.constant 0 : i32
      %dma_start3A_324 = arith.constant 0 : i32
      %dma_start3A_325 = arith.constant 0 : i32
      %dma_start3A_326 = tpu.memref_slice %arg8[%dma_start3A_322, %dma_start3A_324, %dma_start3A_325] : memref<2x128x128xf32, #tpu.memory_space<vmem>> -> memref<1x128x128xf32, #tpu.memory_space<vmem>>
      %dma_start3A_327 = tpu.memref_squeeze %dma_start3A_326 : memref<1x128x128xf32, #tpu.memory_space<vmem>> -> memref<128x128xf32, #tpu.memory_space<vmem>>
      %dma_start3A_328 = arith.constant 0 : i32
      %dma_start3A_329 = tpu.memref_slice %arg7[%dma_start3A_323, %dma_start3A_328] : memref<2x128xi32, #tpu.memory_space<vmem>> -> memref<1x128xi32, #tpu.memory_space<vmem>>
      %dma_start3A_330 = tpu.memref_squeeze %dma_start3A_329 : memref<1x128xi32, #tpu.memory_space<vmem>> -> memref<128xi32, #tpu.memory_space<vmem>>
      %dma_start3A_331 = arith.constant 0 : i32
      %dma_start3A_332 = arith.constant 0 : i32
      %dma_start3A_333 = tpu.memref_slice %arg10[%dma_start3A_331, %dma_start3A_332] : memref<10000x128xf32, #tpu.memory_space<vmem_shared>> -> memref<10000x128xf32, #tpu.memory_space<vmem_shared>>
      tpu.enqueue_indirect_dma source(%dma_start3A_327 : memref<128x128xf32, #tpu.memory_space<vmem>>) target(%dma_start3A_333 : memref<10000x128xf32, #tpu.memory_space<vmem_shared>>) offsets(%dma_start3A_330 : memref<128xi32, #tpu.memory_space<vmem>>) semaphore(%arg13 : memref<!tpu.dma_semaphore, #tpu.memory_space<semaphore_mem>>) {add = true}
      %mul3A_334 = arith.constant 2 : i32
      %mul3A_335 = arith.muli %while3A_299, %mul3A_334 : i32
      %add3A_336 = arith.constant 1 : i32
      %add3A_337 = arith.addi %mul3A_335, %add3A_336 : i32
      %add3A_338 = arith.constant 1 : i32
      %add3A_339 = arith.addi %add3A_337, %add3A_338 : i32
      %lt3A_340 = arith.cmpi slt, %add3A_339, %select_n3A : i32
      %convert_element_type3A_341 = arith.extui %lt3A_340 : i1 to i32
      %cond3A_342 = arith.constant 0 : i32
      %cond3A_343 = arith.cmpi ne, %convert_element_type3A_341, %cond3A_342 : i32
      scf.if %cond3A_343 {
        %ge3A = arith.constant 1 : i32
        %ge3A_369 = arith.cmpi sge, %add3A_337, %ge3A : i32
        %convert_element_type3A_370 = arith.extui %ge3A_369 : i1 to i32
        %cond3A_371 = arith.constant 0 : i32
        %cond3A_372 = arith.cmpi ne, %convert_element_type3A_370, %cond3A_371 : i32
        scf.if %cond3A_372 {
          %dma_wait3A_563 = arith.constant 0 : i32
          %dma_wait3A_564 = arith.constant 0 : i32
          %dma_wait3A_565 = arith.constant 0 : i32
          %dma_wait3A_566 = arith.constant 0 : i32
          %dma_wait3A_567 = tpu.memref_slice %arg8[%dma_wait3A_563, %dma_wait3A_565, %dma_wait3A_566] : memref<2x128x128xf32, #tpu.memory_space<vmem>> -> memref<1x128x128xf32, #tpu.memory_space<vmem>>
          %dma_wait3A_568 = tpu.memref_squeeze %dma_wait3A_567 : memref<1x128x128xf32, #tpu.memory_space<vmem>> -> memref<128x128xf32, #tpu.memory_space<vmem>>
          %dma_wait3A_569 = arith.constant 0 : i32
          %dma_wait3A_570 = tpu.memref_slice %arg7[%dma_wait3A_564, %dma_wait3A_569] : memref<2x128xi32, #tpu.memory_space<vmem>> -> memref<1x128xi32, #tpu.memory_space<vmem>>
          %dma_wait3A_571 = tpu.memref_squeeze %dma_wait3A_570 : memref<1x128xi32, #tpu.memory_space<vmem>> -> memref<128xi32, #tpu.memory_space<vmem>>
          %dma_wait3A_572 = arith.constant 0 : i32
          %dma_wait3A_573 = arith.constant 0 : i32
          %dma_wait3A_574 = tpu.memref_slice %arg10[%dma_wait3A_572, %dma_wait3A_573] : memref<10000x128xf32, #tpu.memory_space<vmem_shared>> -> memref<10000x128xf32, #tpu.memory_space<vmem_shared>>
          tpu.wait_indirect_dma semaphore(%arg13 : memref<!tpu.dma_semaphore, #tpu.memory_space<semaphore_mem>>) src(%dma_wait3A_568 : memref<128x128xf32, #tpu.memory_space<vmem>>) dst(%dma_wait3A_574 : memref<10000x128xf32, #tpu.memory_space<vmem_shared>>)
        } else {
        }
        %add3A_373 = arith.constant 1 : i32
        %add3A_374 = arith.addi %add3A_337, %add3A_373 : i32
        %get3A_375 = arith.index_cast %add3A_374 : i32 to index
        %get3A_376 = arith.constant 0 : index
        %get3A_377 = tpu.vector_load %arg5[%get3A_375, %get3A_376] {strides = array<i32>} : memref<80x128xi32, #tpu.memory_space<vmem>>, vector<1x16xi32>,
        %get3A_378 = vector.shape_cast %get3A_377 : vector<1x16xi32> to vector<16xi32>
        %and3A_379 = arith.constant 65535 : i32
        %and3A_380 = vector.broadcast %and3A_379 : i32 to vector<16xi32>
        %and3A_381 = arith.andi %get3A_378, %and3A_380 : vector<16xi32>
        %swap3A_382 = arith.constant 0 : i32
        %swap3A_383 = arith.index_cast %swap3A_382 : i32 to index
        %swap3A_384 = arith.constant 0 : index
        %swap3A_385 = tpu.vector_load %arg6[%swap3A_383, %swap3A_384] {strides = array<i32>} : memref<2x128xi32, #tpu.memory_space<vmem>>, vector<1x16xi32>,
        %swap3A_386 = vector.shape_cast %swap3A_385 : vector<1x16xi32> to vector<16xi32>
        %swap3A_387 = vector.shape_cast %and3A_381 : vector<16xi32> to vector<1x16xi32>
        tpu.vector_store %arg6[%swap3A_383, %swap3A_384], %swap3A_387 {strides = array<i32>} : memref<2x128xi32, #tpu.memory_space<vmem>>, vector<1x16xi32>,
        %shift_right_logical3A_388 = arith.constant 16 : i32
        %shift_right_logical3A_389 = vector.broadcast %shift_right_logical3A_388 : i32 to vector<16xi32>
        %shift_right_logical3A_390 = arith.shrui %get3A_378, %shift_right_logical3A_389 : vector<16xi32>
        %swap3A_391 = arith.constant 0 : i32
        %swap3A_392 = arith.index_cast %swap3A_391 : i32 to index
        %swap3A_393 = arith.constant 0 : index
        %swap3A_394 = tpu.vector_load %arg7[%swap3A_392, %swap3A_393] {strides = array<i32>} : memref<2x128xi32, #tpu.memory_space<vmem>>, vector<1x16xi32>,
        %swap3A_395 = vector.shape_cast %swap3A_394 : vector<1x16xi32> to vector<16xi32>
        %swap3A_396 = vector.shape_cast %shift_right_logical3A_390 : vector<16xi32> to vector<1x16xi32>
        tpu.vector_store %arg7[%swap3A_392, %swap3A_393], %swap3A_396 {strides = array<i32>} : memref<2x128xi32, #tpu.memory_space<vmem>>, vector<1x16xi32>,
        %get3A_397 = arith.index_cast %add3A_374 : i32 to index
        %get3A_398 = arith.constant 16 : index
        %get3A_399 = tpu.vector_load %arg5[%get3A_397, %get3A_398] {strides = array<i32>} : memref<80x128xi32, #tpu.memory_space<vmem>>, vector<1x16xi32>,
        %get3A_400 = vector.shape_cast %get3A_399 : vector<1x16xi32> to vector<16xi32>
        %and3A_401 = arith.constant 65535 : i32
        %and3A_402 = vector.broadcast %and3A_401 : i32 to vector<16xi32>
        %and3A_403 = arith.andi %get3A_400, %and3A_402 : vector<16xi32>
        %swap3A_404 = arith.constant 0 : i32
        %swap3A_405 = arith.index_cast %swap3A_404 : i32 to index
        %swap3A_406 = arith.constant 16 : index
        %swap3A_407 = tpu.vector_load %arg6[%swap3A_405, %swap3A_406] {strides = array<i32>} : memref<2x128xi32, #tpu.memory_space<vmem>>, vector<1x16xi32>,
        %swap3A_408 = vector.shape_cast %swap3A_407 : vector<1x16xi32> to vector<16xi32>
        %swap3A_409 = vector.shape_cast %and3A_403 : vector<16xi32> to vector<1x16xi32>
        tpu.vector_store %arg6[%swap3A_405, %swap3A_406], %swap3A_409 {strides = array<i32>} : memref<2x128xi32, #tpu.memory_space<vmem>>, vector<1x16xi32>,
        %shift_right_logical3A_410 = arith.constant 16 : i32
        %shift_right_logical3A_411 = vector.broadcast %shift_right_logical3A_410 : i32 to vector<16xi32>
        %shift_right_logical3A_412 = arith.shrui %get3A_400, %shift_right_logical3A_411 : vector<16xi32>
        %swap3A_413 = arith.constant 0 : i32
        %swap3A_414 = arith.index_cast %swap3A_413 : i32 to index
        %swap3A_415 = arith.constant 16 : index
        %swap3A_416 = tpu.vector_load %arg7[%swap3A_414, %swap3A_415] {strides = array<i32>} : memref<2x128xi32, #tpu.memory_space<vmem>>, vector<1x16xi32>,
        %swap3A_417 = vector.shape_cast %swap3A_416 : vector<1x16xi32> to vector<16xi32>
        %swap3A_418 = vector.shape_cast %shift_right_logical3A_412 : vector<16xi32> to vector<1x16xi32>
        tpu.vector_store %arg7[%swap3A_414, %swap3A_415], %swap3A_418 {strides = array<i32>} : memref<2x128xi32, #tpu.memory_space<vmem>>, vector<1x16xi32>,
        %get3A_419 = arith.index_cast %add3A_374 : i32 to index
        %get3A_420 = arith.constant 32 : index
        %get3A_421 = tpu.vector_load %arg5[%get3A_419, %get3A_420] {strides = array<i32>} : memref<80x128xi32, #tpu.memory_space<vmem>>, vector<1x16xi32>,
        %get3A_422 = vector.shape_cast %get3A_421 : vector<1x16xi32> to vector<16xi32>
        %and3A_423 = arith.constant 65535 : i32
        %and3A_424 = vector.broadcast %and3A_423 : i32 to vector<16xi32>
        %and3A_425 = arith.andi %get3A_422, %and3A_424 : vector<16xi32>
        %swap3A_426 = arith.constant 0 : i32
        %swap3A_427 = arith.index_cast %swap3A_426 : i32 to index
        %swap3A_428 = arith.constant 32 : index
        %swap3A_429 = tpu.vector_load %arg6[%swap3A_427, %swap3A_428] {strides = array<i32>} : memref<2x128xi32, #tpu.memory_space<vmem>>, vector<1x16xi32>,
        %swap3A_430 = vector.shape_cast %swap3A_429 : vector<1x16xi32> to vector<16xi32>
        %swap3A_431 = vector.shape_cast %and3A_425 : vector<16xi32> to vector<1x16xi32>
        tpu.vector_store %arg6[%swap3A_427, %swap3A_428], %swap3A_431 {strides = array<i32>} : memref<2x128xi32, #tpu.memory_space<vmem>>, vector<1x16xi32>,
        %shift_right_logical3A_432 = arith.constant 16 : i32
        %shift_right_logical3A_433 = vector.broadcast %shift_right_logical3A_432 : i32 to vector<16xi32>
        %shift_right_logical3A_434 = arith.shrui %get3A_422, %shift_right_logical3A_433 : vector<16xi32>
        %swap3A_435 = arith.constant 0 : i32
        %swap3A_436 = arith.index_cast %swap3A_435 : i32 to index
        %swap3A_437 = arith.constant 32 : index
        %swap3A_438 = tpu.vector_load %arg7[%swap3A_436, %swap3A_437] {strides = array<i32>} : memref<2x128xi32, #tpu.memory_space<vmem>>, vector<1x16xi32>,
        %swap3A_439 = vector.shape_cast %swap3A_438 : vector<1x16xi32> to vector<16xi32>
        %swap3A_440 = vector.shape_cast %shift_right_logical3A_434 : vector<16xi32> to vector<1x16xi32>
        tpu.vector_store %arg7[%swap3A_436, %swap3A_437], %swap3A_440 {strides = array<i32>} : memref<2x128xi32, #tpu.memory_space<vmem>>, vector<1x16xi32>,
        %get3A_441 = arith.index_cast %add3A_374 : i32 to index
        %get3A_442 = arith.constant 48 : index
        %get3A_443 = tpu.vector_load %arg5[%get3A_441, %get3A_442] {strides = array<i32>} : memref<80x128xi32, #tpu.memory_space<vmem>>, vector<1x16xi32>,
        %get3A_444 = vector.shape_cast %get3A_443 : vector<1x16xi32> to vector<16xi32>
        %and3A_445 = arith.constant 65535 : i32
        %and3A_446 = vector.broadcast %and3A_445 : i32 to vector<16xi32>
        %and3A_447 = arith.andi %get3A_444, %and3A_446 : vector<16xi32>
        %swap3A_448 = arith.constant 0 : i32
        %swap3A_449 = arith.index_cast %swap3A_448 : i32 to index
        %swap3A_450 = arith.constant 48 : index
        %swap3A_451 = tpu.vector_load %arg6[%swap3A_449, %swap3A_450] {strides = array<i32>} : memref<2x128xi32, #tpu.memory_space<vmem>>, vector<1x16xi32>,
        %swap3A_452 = vector.shape_cast %swap3A_451 : vector<1x16xi32> to vector<16xi32>
        %swap3A_453 = vector.shape_cast %and3A_447 : vector<16xi32> to vector<1x16xi32>
        tpu.vector_store %arg6[%swap3A_449, %swap3A_450], %swap3A_453 {strides = array<i32>} : memref<2x128xi32, #tpu.memory_space<vmem>>, vector<1x16xi32>,
        %shift_right_logical3A_454 = arith.constant 16 : i32
        %shift_right_logical3A_455 = vector.broadcast %shift_right_logical3A_454 : i32 to vector<16xi32>
        %shift_right_logical3A_456 = arith.shrui %get3A_444, %shift_right_logical3A_455 : vector<16xi32>
        %swap3A_457 = arith.constant 0 : i32
        %swap3A_458 = arith.index_cast %swap3A_457 : i32 to index
        %swap3A_459 = arith.constant 48 : index
        %swap3A_460 = tpu.vector_load %arg7[%swap3A_458, %swap3A_459] {strides = array<i32>} : memref<2x128xi32, #tpu.memory_space<vmem>>, vector<1x16xi32>,
        %swap3A_461 = vector.shape_cast %swap3A_460 : vector<1x16xi32> to vector<16xi32>
        %swap3A_462 = vector.shape_cast %shift_right_logical3A_456 : vector<16xi32> to vector<1x16xi32>
        tpu.vector_store %arg7[%swap3A_458, %swap3A_459], %swap3A_462 {strides = array<i32>} : memref<2x128xi32, #tpu.memory_space<vmem>>, vector<1x16xi32>,
        %get3A_463 = arith.index_cast %add3A_374 : i32 to index
        %get3A_464 = arith.constant 64 : index
        %get3A_465 = tpu.vector_load %arg5[%get3A_463, %get3A_464] {strides = array<i32>} : memref<80x128xi32, #tpu.memory_space<vmem>>, vector<1x16xi32>,
        %get3A_466 = vector.shape_cast %get3A_465 : vector<1x16xi32> to vector<16xi32>
        %and3A_467 = arith.constant 65535 : i32
        %and3A_468 = vector.broadcast %and3A_467 : i32 to vector<16xi32>
        %and3A_469 = arith.andi %get3A_466, %and3A_468 : vector<16xi32>
        %swap3A_470 = arith.constant 0 : i32
        %swap3A_471 = arith.index_cast %swap3A_470 : i32 to index
        %swap3A_472 = arith.constant 64 : index
        %swap3A_473 = tpu.vector_load %arg6[%swap3A_471, %swap3A_472] {strides = array<i32>} : memref<2x128xi32, #tpu.memory_space<vmem>>, vector<1x16xi32>,
        %swap3A_474 = vector.shape_cast %swap3A_473 : vector<1x16xi32> to vector<16xi32>
        %swap3A_475 = vector.shape_cast %and3A_469 : vector<16xi32> to vector<1x16xi32>
        tpu.vector_store %arg6[%swap3A_471, %swap3A_472], %swap3A_475 {strides = array<i32>} : memref<2x128xi32, #tpu.memory_space<vmem>>, vector<1x16xi32>,
        %shift_right_logical3A_476 = arith.constant 16 : i32
        %shift_right_logical3A_477 = vector.broadcast %shift_right_logical3A_476 : i32 to vector<16xi32>
        %shift_right_logical3A_478 = arith.shrui %get3A_466, %shift_right_logical3A_477 : vector<16xi32>
        %swap3A_479 = arith.constant 0 : i32
        %swap3A_480 = arith.index_cast %swap3A_479 : i32 to index
        %swap3A_481 = arith.constant 64 : index
        %swap3A_482 = tpu.vector_load %arg7[%swap3A_480, %swap3A_481] {strides = array<i32>} : memref<2x128xi32, #tpu.memory_space<vmem>>, vector<1x16xi32>,
        %swap3A_483 = vector.shape_cast %swap3A_482 : vector<1x16xi32> to vector<16xi32>
        %swap3A_484 = vector.shape_cast %shift_right_logical3A_478 : vector<16xi32> to vector<1x16xi32>
        tpu.vector_store %arg7[%swap3A_480, %swap3A_481], %swap3A_484 {strides = array<i32>} : memref<2x128xi32, #tpu.memory_space<vmem>>, vector<1x16xi32>,
        %get3A_485 = arith.index_cast %add3A_374 : i32 to index
        %get3A_486 = arith.constant 80 : index
        %get3A_487 = tpu.vector_load %arg5[%get3A_485, %get3A_486] {strides = array<i32>} : memref<80x128xi32, #tpu.memory_space<vmem>>, vector<1x16xi32>,
        %get3A_488 = vector.shape_cast %get3A_487 : vector<1x16xi32> to vector<16xi32>
        %and3A_489 = arith.constant 65535 : i32
        %and3A_490 = vector.broadcast %and3A_489 : i32 to vector<16xi32>
        %and3A_491 = arith.andi %get3A_488, %and3A_490 : vector<16xi32>
        %swap3A_492 = arith.constant 0 : i32
        %swap3A_493 = arith.index_cast %swap3A_492 : i32 to index
        %swap3A_494 = arith.constant 80 : index
        %swap3A_495 = tpu.vector_load %arg6[%swap3A_493, %swap3A_494] {strides = array<i32>} : memref<2x128xi32, #tpu.memory_space<vmem>>, vector<1x16xi32>,
        %swap3A_496 = vector.shape_cast %swap3A_495 : vector<1x16xi32> to vector<16xi32>
        %swap3A_497 = vector.shape_cast %and3A_491 : vector<16xi32> to vector<1x16xi32>
        tpu.vector_store %arg6[%swap3A_493, %swap3A_494], %swap3A_497 {strides = array<i32>} : memref<2x128xi32, #tpu.memory_space<vmem>>, vector<1x16xi32>,
        %shift_right_logical3A_498 = arith.constant 16 : i32
        %shift_right_logical3A_499 = vector.broadcast %shift_right_logical3A_498 : i32 to vector<16xi32>
        %shift_right_logical3A_500 = arith.shrui %get3A_488, %shift_right_logical3A_499 : vector<16xi32>
        %swap3A_501 = arith.constant 0 : i32
        %swap3A_502 = arith.index_cast %swap3A_501 : i32 to index
        %swap3A_503 = arith.constant 80 : index
        %swap3A_504 = tpu.vector_load %arg7[%swap3A_502, %swap3A_503] {strides = array<i32>} : memref<2x128xi32, #tpu.memory_space<vmem>>, vector<1x16xi32>,
        %swap3A_505 = vector.shape_cast %swap3A_504 : vector<1x16xi32> to vector<16xi32>
        %swap3A_506 = vector.shape_cast %shift_right_logical3A_500 : vector<16xi32> to vector<1x16xi32>
        tpu.vector_store %arg7[%swap3A_502, %swap3A_503], %swap3A_506 {strides = array<i32>} : memref<2x128xi32, #tpu.memory_space<vmem>>, vector<1x16xi32>,
        %get3A_507 = arith.index_cast %add3A_374 : i32 to index
        %get3A_508 = arith.constant 96 : index
        %get3A_509 = tpu.vector_load %arg5[%get3A_507, %get3A_508] {strides = array<i32>} : memref<80x128xi32, #tpu.memory_space<vmem>>, vector<1x16xi32>,
        %get3A_510 = vector.shape_cast %get3A_509 : vector<1x16xi32> to vector<16xi32>
        %and3A_511 = arith.constant 65535 : i32
        %and3A_512 = vector.broadcast %and3A_511 : i32 to vector<16xi32>
        %and3A_513 = arith.andi %get3A_510, %and3A_512 : vector<16xi32>
        %swap3A_514 = arith.constant 0 : i32
        %swap3A_515 = arith.index_cast %swap3A_514 : i32 to index
        %swap3A_516 = arith.constant 96 : index
        %swap3A_517 = tpu.vector_load %arg6[%swap3A_515, %swap3A_516] {strides = array<i32>} : memref<2x128xi32, #tpu.memory_space<vmem>>, vector<1x16xi32>,
        %swap3A_518 = vector.shape_cast %swap3A_517 : vector<1x16xi32> to vector<16xi32>
        %swap3A_519 = vector.shape_cast %and3A_513 : vector<16xi32> to vector<1x16xi32>
        tpu.vector_store %arg6[%swap3A_515, %swap3A_516], %swap3A_519 {strides = array<i32>} : memref<2x128xi32, #tpu.memory_space<vmem>>, vector<1x16xi32>,
        %shift_right_logical3A_520 = arith.constant 16 : i32
        %shift_right_logical3A_521 = vector.broadcast %shift_right_logical3A_520 : i32 to vector<16xi32>
        %shift_right_logical3A_522 = arith.shrui %get3A_510, %shift_right_logical3A_521 : vector<16xi32>
        %swap3A_523 = arith.constant 0 : i32
        %swap3A_524 = arith.index_cast %swap3A_523 : i32 to index
        %swap3A_525 = arith.constant 96 : index
        %swap3A_526 = tpu.vector_load %arg7[%swap3A_524, %swap3A_525] {strides = array<i32>} : memref<2x128xi32, #tpu.memory_space<vmem>>, vector<1x16xi32>,
        %swap3A_527 = vector.shape_cast %swap3A_526 : vector<1x16xi32> to vector<16xi32>
        %swap3A_528 = vector.shape_cast %shift_right_logical3A_522 : vector<16xi32> to vector<1x16xi32>
        tpu.vector_store %arg7[%swap3A_524, %swap3A_525], %swap3A_528 {strides = array<i32>} : memref<2x128xi32, #tpu.memory_space<vmem>>, vector<1x16xi32>,
        %get3A_529 = arith.index_cast %add3A_374 : i32 to index
        %get3A_530 = arith.constant 112 : index
        %get3A_531 = tpu.vector_load %arg5[%get3A_529, %get3A_530] {strides = array<i32>} : memref<80x128xi32, #tpu.memory_space<vmem>>, vector<1x16xi32>,
        %get3A_532 = vector.shape_cast %get3A_531 : vector<1x16xi32> to vector<16xi32>
        %and3A_533 = arith.constant 65535 : i32
        %and3A_534 = vector.broadcast %and3A_533 : i32 to vector<16xi32>
        %and3A_535 = arith.andi %get3A_532, %and3A_534 : vector<16xi32>
        %swap3A_536 = arith.constant 0 : i32
        %swap3A_537 = arith.index_cast %swap3A_536 : i32 to index
        %swap3A_538 = arith.constant 112 : index
        %swap3A_539 = tpu.vector_load %arg6[%swap3A_537, %swap3A_538] {strides = array<i32>} : memref<2x128xi32, #tpu.memory_space<vmem>>, vector<1x16xi32>,
        %swap3A_540 = vector.shape_cast %swap3A_539 : vector<1x16xi32> to vector<16xi32>
        %swap3A_541 = vector.shape_cast %and3A_535 : vector<16xi32> to vector<1x16xi32>
        tpu.vector_store %arg6[%swap3A_537, %swap3A_538], %swap3A_541 {strides = array<i32>} : memref<2x128xi32, #tpu.memory_space<vmem>>, vector<1x16xi32>,
        %shift_right_logical3A_542 = arith.constant 16 : i32
        %shift_right_logical3A_543 = vector.broadcast %shift_right_logical3A_542 : i32 to vector<16xi32>
        %shift_right_logical3A_544 = arith.shrui %get3A_532, %shift_right_logical3A_543 : vector<16xi32>
        %swap3A_545 = arith.constant 0 : i32
        %swap3A_546 = arith.index_cast %swap3A_545 : i32 to index
        %swap3A_547 = arith.constant 112 : index
        %swap3A_548 = tpu.vector_load %arg7[%swap3A_546, %swap3A_547] {strides = array<i32>} : memref<2x128xi32, #tpu.memory_space<vmem>>, vector<1x16xi32>,
        %swap3A_549 = vector.shape_cast %swap3A_548 : vector<1x16xi32> to vector<16xi32>
        %swap3A_550 = vector.shape_cast %shift_right_logical3A_544 : vector<16xi32> to vector<1x16xi32>
        tpu.vector_store %arg7[%swap3A_546, %swap3A_547], %swap3A_550 {strides = array<i32>} : memref<2x128xi32, #tpu.memory_space<vmem>>, vector<1x16xi32>,
        %dma_start3A_551 = arith.constant 0 : i32
        %dma_start3A_552 = arith.constant 0 : i32
        %dma_start3A_553 = arith.constant 0 : i32
        %dma_start3A_554 = arith.constant 0 : i32
        %dma_start3A_555 = tpu.memref_slice %arg8[%dma_start3A_552, %dma_start3A_553, %dma_start3A_554] : memref<2x128x128xf32, #tpu.memory_space<vmem>> -> memref<1x128x128xf32, #tpu.memory_space<vmem>>
        %dma_start3A_556 = tpu.memref_squeeze %dma_start3A_555 : memref<1x128x128xf32, #tpu.memory_space<vmem>> -> memref<128x128xf32, #tpu.memory_space<vmem>>
        %dma_start3A_557 = arith.constant 0 : i32
        %dma_start3A_558 = tpu.memref_slice %arg6[%dma_start3A_551, %dma_start3A_557] : memref<2x128xi32, #tpu.memory_space<vmem>> -> memref<1x128xi32, #tpu.memory_space<vmem>>
        %dma_start3A_559 = tpu.memref_squeeze %dma_start3A_558 : memref<1x128xi32, #tpu.memory_space<vmem>> -> memref<128xi32, #tpu.memory_space<vmem>>
        %dma_start3A_560 = arith.constant 0 : i32
        %dma_start3A_561 = arith.constant 0 : i32
        %dma_start3A_562 = tpu.memref_slice %arg2[%dma_start3A_560, %dma_start3A_561] : memref<10000x128xf32, #tpu.memory_space<hbm>> -> memref<10000x128xf32, #tpu.memory_space<hbm>>
        tpu.enqueue_indirect_dma source(%dma_start3A_562 : memref<10000x128xf32, #tpu.memory_space<hbm>>) target(%dma_start3A_556 : memref<128x128xf32, #tpu.memory_space<vmem>>) offsets(%dma_start3A_559 : memref<128xi32, #tpu.memory_space<vmem>>) semaphore(%arg11 : memref<!tpu.dma_semaphore, #tpu.memory_space<semaphore_mem>>)
      } else {
      }
      %dma_wait3A_344 = arith.constant 1 : i32
      %dma_wait3A_345 = arith.constant 1 : i32
      %dma_wait3A_346 = arith.constant 0 : i32
      %dma_wait3A_347 = arith.constant 0 : i32
      %dma_wait3A_348 = tpu.memref_slice %arg8[%dma_wait3A_345, %dma_wait3A_346, %dma_wait3A_347] : memref<2x128x128xf32, #tpu.memory_space<vmem>> -> memref<1x128x128xf32, #tpu.memory_space<vmem>>
      %dma_wait3A_349 = tpu.memref_squeeze %dma_wait3A_348 : memref<1x128x128xf32, #tpu.memory_space<vmem>> -> memref<128x128xf32, #tpu.memory_space<vmem>>
      %dma_wait3A_350 = arith.constant 0 : i32
      %dma_wait3A_351 = tpu.memref_slice %arg6[%dma_wait3A_344, %dma_wait3A_350] : memref<2x128xi32, #tpu.memory_space<vmem>> -> memref<1x128xi32, #tpu.memory_space<vmem>>
      %dma_wait3A_352 = tpu.memref_squeeze %dma_wait3A_351 : memref<1x128xi32, #tpu.memory_space<vmem>> -> memref<128xi32, #tpu.memory_space<vmem>>
      %dma_wait3A_353 = arith.constant 0 : i32
      %dma_wait3A_354 = arith.constant 0 : i32
      %dma_wait3A_355 = tpu.memref_slice %arg2[%dma_wait3A_353, %dma_wait3A_354] : memref<10000x128xf32, #tpu.memory_space<hbm>> -> memref<10000x128xf32, #tpu.memory_space<hbm>>
      tpu.wait_indirect_dma semaphore(%arg12 : memref<!tpu.dma_semaphore, #tpu.memory_space<semaphore_mem>>) src(%dma_wait3A_355 : memref<10000x128xf32, #tpu.memory_space<hbm>>) dst(%dma_wait3A_349 : memref<128x128xf32, #tpu.memory_space<vmem>>)
      %dma_start3A_356 = arith.constant 1 : i32
      %dma_start3A_357 = arith.constant 1 : i32
      %dma_start3A_358 = arith.constant 0 : i32
      %dma_start3A_359 = arith.constant 0 : i32
      %dma_start3A_360 = tpu.memref_slice %arg8[%dma_start3A_356, %dma_start3A_358, %dma_start3A_359] : memref<2x128x128xf32, #tpu.memory_space<vmem>> -> memref<1x128x128xf32, #tpu.memory_space<vmem>>
      %dma_start3A_361 = tpu.memref_squeeze %dma_start3A_360 : memref<1x128x128xf32, #tpu.memory_space<vmem>> -> memref<128x128xf32, #tpu.memory_space<vmem>>
      %dma_start3A_362 = arith.constant 0 : i32
      %dma_start3A_363 = tpu.memref_slice %arg7[%dma_start3A_357, %dma_start3A_362] : memref<2x128xi32, #tpu.memory_space<vmem>> -> memref<1x128xi32, #tpu.memory_space<vmem>>
      %dma_start3A_364 = tpu.memref_squeeze %dma_start3A_363 : memref<1x128xi32, #tpu.memory_space<vmem>> -> memref<128xi32, #tpu.memory_space<vmem>>
      %dma_start3A_365 = arith.constant 0 : i32
      %dma_start3A_366 = arith.constant 0 : i32
      %dma_start3A_367 = tpu.memref_slice %arg10[%dma_start3A_365, %dma_start3A_366] : memref<10000x128xf32, #tpu.memory_space<vmem_shared>> -> memref<10000x128xf32, #tpu.memory_space<vmem_shared>>
      tpu.enqueue_indirect_dma source(%dma_start3A_361 : memref<128x128xf32, #tpu.memory_space<vmem>>) target(%dma_start3A_367 : memref<10000x128xf32, #tpu.memory_space<vmem_shared>>) offsets(%dma_start3A_364 : memref<128xi32, #tpu.memory_space<vmem>>) semaphore(%arg14 : memref<!tpu.dma_semaphore, #tpu.memory_space<semaphore_mem>>) {add = true}
      %while3A_368 = arith.constant 0 : i32
      scf.yield %while3A_368 : i32
    }
    %while3A_266 = arith.constant 1 : i32
    %while3A_267 = scf.for %while3A_299 = %while3A_263 to %while3A_259 step %while3A_266 iter_args(%while3A_300 = %while3A_265) -> (i32)  : i32 {
      %mul3A_301 = arith.constant 2 : i32
      %mul3A_302 = arith.muli %while3A_299, %mul3A_301 : i32
      %add3A_303 = arith.constant 0 : i32
      %add3A_304 = arith.addi %mul3A_302, %add3A_303 : i32
      %add3A_305 = arith.constant 1 : i32
      %add3A_306 = arith.addi %add3A_304, %add3A_305 : i32
      %lt3A = arith.cmpi slt, %add3A_306, %select_n3A : i32
      %convert_element_type3A_307 = arith.extui %lt3A : i1 to i32
      %cond3A_308 = arith.constant 0 : i32
      %cond3A_309 = arith.cmpi ne, %convert_element_type3A_307, %cond3A_308 : i32
      scf.if %cond3A_309 {
        %ge3A = arith.constant 1 : i32
        %ge3A_369 = arith.cmpi sge, %add3A_304, %ge3A : i32
        %convert_element_type3A_370 = arith.extui %ge3A_369 : i1 to i32
        %cond3A_371 = arith.constant 0 : i32
        %cond3A_372 = arith.cmpi ne, %convert_element_type3A_370, %cond3A_371 : i32
        scf.if %cond3A_372 {
          %dma_wait3A_563 = arith.constant 1 : i32
          %dma_wait3A_564 = arith.constant 1 : i32
          %dma_wait3A_565 = arith.constant 0 : i32
          %dma_wait3A_566 = arith.constant 0 : i32
          %dma_wait3A_567 = tpu.memref_slice %arg8[%dma_wait3A_563, %dma_wait3A_565, %dma_wait3A_566] : memref<2x128x128xf32, #tpu.memory_space<vmem>> -> memref<1x128x128xf32, #tpu.memory_space<vmem>>
          %dma_wait3A_568 = tpu.memref_squeeze %dma_wait3A_567 : memref<1x128x128xf32, #tpu.memory_space<vmem>> -> memref<128x128xf32, #tpu.memory_space<vmem>>
          %dma_wait3A_569 = arith.constant 0 : i32
          %dma_wait3A_570 = tpu.memref_slice %arg7[%dma_wait3A_564, %dma_wait3A_569] : memref<2x128xi32, #tpu.memory_space<vmem>> -> memref<1x128xi32, #tpu.memory_space<vmem>>
          %dma_wait3A_571 = tpu.memref_squeeze %dma_wait3A_570 : memref<1x128xi32, #tpu.memory_space<vmem>> -> memref<128xi32, #tpu.memory_space<vmem>>
          %dma_wait3A_572 = arith.constant 0 : i32
          %dma_wait3A_573 = arith.constant 0 : i32
          %dma_wait3A_574 = tpu.memref_slice %arg10[%dma_wait3A_572, %dma_wait3A_573] : memref<10000x128xf32, #tpu.memory_space<vmem_shared>> -> memref<10000x128xf32, #tpu.memory_space<vmem_shared>>
          tpu.wait_indirect_dma semaphore(%arg14 : memref<!tpu.dma_semaphore, #tpu.memory_space<semaphore_mem>>) src(%dma_wait3A_568 : memref<128x128xf32, #tpu.memory_space<vmem>>) dst(%dma_wait3A_574 : memref<10000x128xf32, #tpu.memory_space<vmem_shared>>)
        } else {
        }
        %add3A_373 = arith.constant 1 : i32
        %add3A_374 = arith.addi %add3A_304, %add3A_373 : i32
        %get3A_375 = arith.index_cast %add3A_374 : i32 to index
        %get3A_376 = arith.constant 0 : index
        %get3A_377 = tpu.vector_load %arg5[%get3A_375, %get3A_376] {strides = array<i32>} : memref<80x128xi32, #tpu.memory_space<vmem>>, vector<1x16xi32>,
        %get3A_378 = vector.shape_cast %get3A_377 : vector<1x16xi32> to vector<16xi32>
        %and3A_379 = arith.constant 65535 : i32
        %and3A_380 = vector.broadcast %and3A_379 : i32 to vector<16xi32>
        %and3A_381 = arith.andi %get3A_378, %and3A_380 : vector<16xi32>
        %swap3A_382 = arith.constant 1 : i32
        %swap3A_383 = arith.index_cast %swap3A_382 : i32 to index
        %swap3A_384 = arith.constant 0 : index
        %swap3A_385 = tpu.vector_load %arg6[%swap3A_383, %swap3A_384] {strides = array<i32>} : memref<2x128xi32, #tpu.memory_space<vmem>>, vector<1x16xi32>,
        %swap3A_386 = vector.shape_cast %swap3A_385 : vector<1x16xi32> to vector<16xi32>
        %swap3A_387 = vector.shape_cast %and3A_381 : vector<16xi32> to vector<1x16xi32>
        tpu.vector_store %arg6[%swap3A_383, %swap3A_384], %swap3A_387 {strides = array<i32>} : memref<2x128xi32, #tpu.memory_space<vmem>>, vector<1x16xi32>,
        %shift_right_logical3A_388 = arith.constant 16 : i32
        %shift_right_logical3A_389 = vector.broadcast %shift_right_logical3A_388 : i32 to vector<16xi32>
        %shift_right_logical3A_390 = arith.shrui %get3A_378, %shift_right_logical3A_389 : vector<16xi32>
        %swap3A_391 = arith.constant 1 : i32
        %swap3A_392 = arith.index_cast %swap3A_391 : i32 to index
        %swap3A_393 = arith.constant 0 : index
        %swap3A_394 = tpu.vector_load %arg7[%swap3A_392, %swap3A_393] {strides = array<i32>} : memref<2x128xi32, #tpu.memory_space<vmem>>, vector<1x16xi32>,
        %swap3A_395 = vector.shape_cast %swap3A_394 : vector<1x16xi32> to vector<16xi32>
        %swap3A_396 = vector.shape_cast %shift_right_logical3A_390 : vector<16xi32> to vector<1x16xi32>
        tpu.vector_store %arg7[%swap3A_392, %swap3A_393], %swap3A_396 {strides = array<i32>} : memref<2x128xi32, #tpu.memory_space<vmem>>, vector<1x16xi32>,
        %get3A_397 = arith.index_cast %add3A_374 : i32 to index
        %get3A_398 = arith.constant 16 : index
        %get3A_399 = tpu.vector_load %arg5[%get3A_397, %get3A_398] {strides = array<i32>} : memref<80x128xi32, #tpu.memory_space<vmem>>, vector<1x16xi32>,
        %get3A_400 = vector.shape_cast %get3A_399 : vector<1x16xi32> to vector<16xi32>
        %and3A_401 = arith.constant 65535 : i32
        %and3A_402 = vector.broadcast %and3A_401 : i32 to vector<16xi32>
        %and3A_403 = arith.andi %get3A_400, %and3A_402 : vector<16xi32>
        %swap3A_404 = arith.constant 1 : i32
        %swap3A_405 = arith.index_cast %swap3A_404 : i32 to index
        %swap3A_406 = arith.constant 16 : index
        %swap3A_407 = tpu.vector_load %arg6[%swap3A_405, %swap3A_406] {strides = array<i32>} : memref<2x128xi32, #tpu.memory_space<vmem>>, vector<1x16xi32>,
        %swap3A_408 = vector.shape_cast %swap3A_407 : vector<1x16xi32> to vector<16xi32>
        %swap3A_409 = vector.shape_cast %and3A_403 : vector<16xi32> to vector<1x16xi32>
        tpu.vector_store %arg6[%swap3A_405, %swap3A_406], %swap3A_409 {strides = array<i32>} : memref<2x128xi32, #tpu.memory_space<vmem>>, vector<1x16xi32>,
        %shift_right_logical3A_410 = arith.constant 16 : i32
        %shift_right_logical3A_411 = vector.broadcast %shift_right_logical3A_410 : i32 to vector<16xi32>
        %shift_right_logical3A_412 = arith.shrui %get3A_400, %shift_right_logical3A_411 : vector<16xi32>
        %swap3A_413 = arith.constant 1 : i32
        %swap3A_414 = arith.index_cast %swap3A_413 : i32 to index
        %swap3A_415 = arith.constant 16 : index
        %swap3A_416 = tpu.vector_load %arg7[%swap3A_414, %swap3A_415] {strides = array<i32>} : memref<2x128xi32, #tpu.memory_space<vmem>>, vector<1x16xi32>,
        %swap3A_417 = vector.shape_cast %swap3A_416 : vector<1x16xi32> to vector<16xi32>
        %swap3A_418 = vector.shape_cast %shift_right_logical3A_412 : vector<16xi32> to vector<1x16xi32>
        tpu.vector_store %arg7[%swap3A_414, %swap3A_415], %swap3A_418 {strides = array<i32>} : memref<2x128xi32, #tpu.memory_space<vmem>>, vector<1x16xi32>,
        %get3A_419 = arith.index_cast %add3A_374 : i32 to index
        %get3A_420 = arith.constant 32 : index
        %get3A_421 = tpu.vector_load %arg5[%get3A_419, %get3A_420] {strides = array<i32>} : memref<80x128xi32, #tpu.memory_space<vmem>>, vector<1x16xi32>,
        %get3A_422 = vector.shape_cast %get3A_421 : vector<1x16xi32> to vector<16xi32>
        %and3A_423 = arith.constant 65535 : i32
        %and3A_424 = vector.broadcast %and3A_423 : i32 to vector<16xi32>
        %and3A_425 = arith.andi %get3A_422, %and3A_424 : vector<16xi32>
        %swap3A_426 = arith.constant 1 : i32
        %swap3A_427 = arith.index_cast %swap3A_426 : i32 to index
        %swap3A_428 = arith.constant 32 : index
        %swap3A_429 = tpu.vector_load %arg6[%swap3A_427, %swap3A_428] {strides = array<i32>} : memref<2x128xi32, #tpu.memory_space<vmem>>, vector<1x16xi32>,
        %swap3A_430 = vector.shape_cast %swap3A_429 : vector<1x16xi32> to vector<16xi32>
        %swap3A_431 = vector.shape_cast %and3A_425 : vector<16xi32> to vector<1x16xi32>
        tpu.vector_store %arg6[%swap3A_427, %swap3A_428], %swap3A_431 {strides = array<i32>} : memref<2x128xi32, #tpu.memory_space<vmem>>, vector<1x16xi32>,
        %shift_right_logical3A_432 = arith.constant 16 : i32
        %shift_right_logical3A_433 = vector.broadcast %shift_right_logical3A_432 : i32 to vector<16xi32>
        %shift_right_logical3A_434 = arith.shrui %get3A_422, %shift_right_logical3A_433 : vector<16xi32>
        %swap3A_435 = arith.constant 1 : i32
        %swap3A_436 = arith.index_cast %swap3A_435 : i32 to index
        %swap3A_437 = arith.constant 32 : index
        %swap3A_438 = tpu.vector_load %arg7[%swap3A_436, %swap3A_437] {strides = array<i32>} : memref<2x128xi32, #tpu.memory_space<vmem>>, vector<1x16xi32>,
        %swap3A_439 = vector.shape_cast %swap3A_438 : vector<1x16xi32> to vector<16xi32>
        %swap3A_440 = vector.shape_cast %shift_right_logical3A_434 : vector<16xi32> to vector<1x16xi32>
        tpu.vector_store %arg7[%swap3A_436, %swap3A_437], %swap3A_440 {strides = array<i32>} : memref<2x128xi32, #tpu.memory_space<vmem>>, vector<1x16xi32>,
        %get3A_441 = arith.index_cast %add3A_374 : i32 to index
        %get3A_442 = arith.constant 48 : index
        %get3A_443 = tpu.vector_load %arg5[%get3A_441, %get3A_442] {strides = array<i32>} : memref<80x128xi32, #tpu.memory_space<vmem>>, vector<1x16xi32>,
        %get3A_444 = vector.shape_cast %get3A_443 : vector<1x16xi32> to vector<16xi32>
        %and3A_445 = arith.constant 65535 : i32
        %and3A_446 = vector.broadcast %and3A_445 : i32 to vector<16xi32>
        %and3A_447 = arith.andi %get3A_444, %and3A_446 : vector<16xi32>
        %swap3A_448 = arith.constant 1 : i32
        %swap3A_449 = arith.index_cast %swap3A_448 : i32 to index
        %swap3A_450 = arith.constant 48 : index
        %swap3A_451 = tpu.vector_load %arg6[%swap3A_449, %swap3A_450] {strides = array<i32>} : memref<2x128xi32, #tpu.memory_space<vmem>>, vector<1x16xi32>,
        %swap3A_452 = vector.shape_cast %swap3A_451 : vector<1x16xi32> to vector<16xi32>
        %swap3A_453 = vector.shape_cast %and3A_447 : vector<16xi32> to vector<1x16xi32>
        tpu.vector_store %arg6[%swap3A_449, %swap3A_450], %swap3A_453 {strides = array<i32>} : memref<2x128xi32, #tpu.memory_space<vmem>>, vector<1x16xi32>,
        %shift_right_logical3A_454 = arith.constant 16 : i32
        %shift_right_logical3A_455 = vector.broadcast %shift_right_logical3A_454 : i32 to vector<16xi32>
        %shift_right_logical3A_456 = arith.shrui %get3A_444, %shift_right_logical3A_455 : vector<16xi32>
        %swap3A_457 = arith.constant 1 : i32
        %swap3A_458 = arith.index_cast %swap3A_457 : i32 to index
        %swap3A_459 = arith.constant 48 : index
        %swap3A_460 = tpu.vector_load %arg7[%swap3A_458, %swap3A_459] {strides = array<i32>} : memref<2x128xi32, #tpu.memory_space<vmem>>, vector<1x16xi32>,
        %swap3A_461 = vector.shape_cast %swap3A_460 : vector<1x16xi32> to vector<16xi32>
        %swap3A_462 = vector.shape_cast %shift_right_logical3A_456 : vector<16xi32> to vector<1x16xi32>
        tpu.vector_store %arg7[%swap3A_458, %swap3A_459], %swap3A_462 {strides = array<i32>} : memref<2x128xi32, #tpu.memory_space<vmem>>, vector<1x16xi32>,
        %get3A_463 = arith.index_cast %add3A_374 : i32 to index
        %get3A_464 = arith.constant 64 : index
        %get3A_465 = tpu.vector_load %arg5[%get3A_463, %get3A_464] {strides = array<i32>} : memref<80x128xi32, #tpu.memory_space<vmem>>, vector<1x16xi32>,
        %get3A_466 = vector.shape_cast %get3A_465 : vector<1x16xi32> to vector<16xi32>
        %and3A_467 = arith.constant 65535 : i32
        %and3A_468 = vector.broadcast %and3A_467 : i32 to vector<16xi32>
        %and3A_469 = arith.andi %get3A_466, %and3A_468 : vector<16xi32>
        %swap3A_470 = arith.constant 1 : i32
        %swap3A_471 = arith.index_cast %swap3A_470 : i32 to index
        %swap3A_472 = arith.constant 64 : index
        %swap3A_473 = tpu.vector_load %arg6[%swap3A_471, %swap3A_472] {strides = array<i32>} : memref<2x128xi32, #tpu.memory_space<vmem>>, vector<1x16xi32>,
        %swap3A_474 = vector.shape_cast %swap3A_473 : vector<1x16xi32> to vector<16xi32>
        %swap3A_475 = vector.shape_cast %and3A_469 : vector<16xi32> to vector<1x16xi32>
        tpu.vector_store %arg6[%swap3A_471, %swap3A_472], %swap3A_475 {strides = array<i32>} : memref<2x128xi32, #tpu.memory_space<vmem>>, vector<1x16xi32>,
        %shift_right_logical3A_476 = arith.constant 16 : i32
        %shift_right_logical3A_477 = vector.broadcast %shift_right_logical3A_476 : i32 to vector<16xi32>
        %shift_right_logical3A_478 = arith.shrui %get3A_466, %shift_right_logical3A_477 : vector<16xi32>
        %swap3A_479 = arith.constant 1 : i32
        %swap3A_480 = arith.index_cast %swap3A_479 : i32 to index
        %swap3A_481 = arith.constant 64 : index
        %swap3A_482 = tpu.vector_load %arg7[%swap3A_480, %swap3A_481] {strides = array<i32>} : memref<2x128xi32, #tpu.memory_space<vmem>>, vector<1x16xi32>,
        %swap3A_483 = vector.shape_cast %swap3A_482 : vector<1x16xi32> to vector<16xi32>
        %swap3A_484 = vector.shape_cast %shift_right_logical3A_478 : vector<16xi32> to vector<1x16xi32>
        tpu.vector_store %arg7[%swap3A_480, %swap3A_481], %swap3A_484 {strides = array<i32>} : memref<2x128xi32, #tpu.memory_space<vmem>>, vector<1x16xi32>,
        %get3A_485 = arith.index_cast %add3A_374 : i32 to index
        %get3A_486 = arith.constant 80 : index
        %get3A_487 = tpu.vector_load %arg5[%get3A_485, %get3A_486] {strides = array<i32>} : memref<80x128xi32, #tpu.memory_space<vmem>>, vector<1x16xi32>,
        %get3A_488 = vector.shape_cast %get3A_487 : vector<1x16xi32> to vector<16xi32>
        %and3A_489 = arith.constant 65535 : i32
        %and3A_490 = vector.broadcast %and3A_489 : i32 to vector<16xi32>
        %and3A_491 = arith.andi %get3A_488, %and3A_490 : vector<16xi32>
        %swap3A_492 = arith.constant 1 : i32
        %swap3A_493 = arith.index_cast %swap3A_492 : i32 to index
        %swap3A_494 = arith.constant 80 : index
        %swap3A_495 = tpu.vector_load %arg6[%swap3A_493, %swap3A_494] {strides = array<i32>} : memref<2x128xi32, #tpu.memory_space<vmem>>, vector<1x16xi32>,
        %swap3A_496 = vector.shape_cast %swap3A_495 : vector<1x16xi32> to vector<16xi32>
        %swap3A_497 = vector.shape_cast %and3A_491 : vector<16xi32> to vector<1x16xi32>
        tpu.vector_store %arg6[%swap3A_493, %swap3A_494], %swap3A_497 {strides = array<i32>} : memref<2x128xi32, #tpu.memory_space<vmem>>, vector<1x16xi32>,
        %shift_right_logical3A_498 = arith.constant 16 : i32
        %shift_right_logical3A_499 = vector.broadcast %shift_right_logical3A_498 : i32 to vector<16xi32>
        %shift_right_logical3A_500 = arith.shrui %get3A_488, %shift_right_logical3A_499 : vector<16xi32>
        %swap3A_501 = arith.constant 1 : i32
        %swap3A_502 = arith.index_cast %swap3A_501 : i32 to index
        %swap3A_503 = arith.constant 80 : index
        %swap3A_504 = tpu.vector_load %arg7[%swap3A_502, %swap3A_503] {strides = array<i32>} : memref<2x128xi32, #tpu.memory_space<vmem>>, vector<1x16xi32>,
        %swap3A_505 = vector.shape_cast %swap3A_504 : vector<1x16xi32> to vector<16xi32>
        %swap3A_506 = vector.shape_cast %shift_right_logical3A_500 : vector<16xi32> to vector<1x16xi32>
        tpu.vector_store %arg7[%swap3A_502, %swap3A_503], %swap3A_506 {strides = array<i32>} : memref<2x128xi32, #tpu.memory_space<vmem>>, vector<1x16xi32>,
        %get3A_507 = arith.index_cast %add3A_374 : i32 to index
        %get3A_508 = arith.constant 96 : index
        %get3A_509 = tpu.vector_load %arg5[%get3A_507, %get3A_508] {strides = array<i32>} : memref<80x128xi32, #tpu.memory_space<vmem>>, vector<1x16xi32>,
        %get3A_510 = vector.shape_cast %get3A_509 : vector<1x16xi32> to vector<16xi32>
        %and3A_511 = arith.constant 65535 : i32
        %and3A_512 = vector.broadcast %and3A_511 : i32 to vector<16xi32>
        %and3A_513 = arith.andi %get3A_510, %and3A_512 : vector<16xi32>
        %swap3A_514 = arith.constant 1 : i32
        %swap3A_515 = arith.index_cast %swap3A_514 : i32 to index
        %swap3A_516 = arith.constant 96 : index
        %swap3A_517 = tpu.vector_load %arg6[%swap3A_515, %swap3A_516] {strides = array<i32>} : memref<2x128xi32, #tpu.memory_space<vmem>>, vector<1x16xi32>,
        %swap3A_518 = vector.shape_cast %swap3A_517 : vector<1x16xi32> to vector<16xi32>
        %swap3A_519 = vector.shape_cast %and3A_513 : vector<16xi32> to vector<1x16xi32>
        tpu.vector_store %arg6[%swap3A_515, %swap3A_516], %swap3A_519 {strides = array<i32>} : memref<2x128xi32, #tpu.memory_space<vmem>>, vector<1x16xi32>,
        %shift_right_logical3A_520 = arith.constant 16 : i32
        %shift_right_logical3A_521 = vector.broadcast %shift_right_logical3A_520 : i32 to vector<16xi32>
        %shift_right_logical3A_522 = arith.shrui %get3A_510, %shift_right_logical3A_521 : vector<16xi32>
        %swap3A_523 = arith.constant 1 : i32
        %swap3A_524 = arith.index_cast %swap3A_523 : i32 to index
        %swap3A_525 = arith.constant 96 : index
        %swap3A_526 = tpu.vector_load %arg7[%swap3A_524, %swap3A_525] {strides = array<i32>} : memref<2x128xi32, #tpu.memory_space<vmem>>, vector<1x16xi32>,
        %swap3A_527 = vector.shape_cast %swap3A_526 : vector<1x16xi32> to vector<16xi32>
        %swap3A_528 = vector.shape_cast %shift_right_logical3A_522 : vector<16xi32> to vector<1x16xi32>
        tpu.vector_store %arg7[%swap3A_524, %swap3A_525], %swap3A_528 {strides = array<i32>} : memref<2x128xi32, #tpu.memory_space<vmem>>, vector<1x16xi32>,
        %get3A_529 = arith.index_cast %add3A_374 : i32 to index
        %get3A_530 = arith.constant 112 : index
        %get3A_531 = tpu.vector_load %arg5[%get3A_529, %get3A_530] {strides = array<i32>} : memref<80x128xi32, #tpu.memory_space<vmem>>, vector<1x16xi32>,
        %get3A_532 = vector.shape_cast %get3A_531 : vector<1x16xi32> to vector<16xi32>
        %and3A_533 = arith.constant 65535 : i32
        %and3A_534 = vector.broadcast %and3A_533 : i32 to vector<16xi32>
        %and3A_535 = arith.andi %get3A_532, %and3A_534 : vector<16xi32>
        %swap3A_536 = arith.constant 1 : i32
        %swap3A_537 = arith.index_cast %swap3A_536 : i32 to index
        %swap3A_538 = arith.constant 112 : index
        %swap3A_539 = tpu.vector_load %arg6[%swap3A_537, %swap3A_538] {strides = array<i32>} : memref<2x128xi32, #tpu.memory_space<vmem>>, vector<1x16xi32>,
        %swap3A_540 = vector.shape_cast %swap3A_539 : vector<1x16xi32> to vector<16xi32>
        %swap3A_541 = vector.shape_cast %and3A_535 : vector<16xi32> to vector<1x16xi32>
        tpu.vector_store %arg6[%swap3A_537, %swap3A_538], %swap3A_541 {strides = array<i32>} : memref<2x128xi32, #tpu.memory_space<vmem>>, vector<1x16xi32>,
        %shift_right_logical3A_542 = arith.constant 16 : i32
        %shift_right_logical3A_543 = vector.broadcast %shift_right_logical3A_542 : i32 to vector<16xi32>
        %shift_right_logical3A_544 = arith.shrui %get3A_532, %shift_right_logical3A_543 : vector<16xi32>
        %swap3A_545 = arith.constant 1 : i32
        %swap3A_546 = arith.index_cast %swap3A_545 : i32 to index
        %swap3A_547 = arith.constant 112 : index
        %swap3A_548 = tpu.vector_load %arg7[%swap3A_546, %swap3A_547] {strides = array<i32>} : memref<2x128xi32, #tpu.memory_space<vmem>>, vector<1x16xi32>,
        %swap3A_549 = vector.shape_cast %swap3A_548 : vector<1x16xi32> to vector<16xi32>
        %swap3A_550 = vector.shape_cast %shift_right_logical3A_544 : vector<16xi32> to vector<1x16xi32>
        tpu.vector_store %arg7[%swap3A_546, %swap3A_547], %swap3A_550 {strides = array<i32>} : memref<2x128xi32, #tpu.memory_space<vmem>>, vector<1x16xi32>,
        %dma_start3A_551 = arith.constant 1 : i32
        %dma_start3A_552 = arith.constant 1 : i32
        %dma_start3A_553 = arith.constant 0 : i32
        %dma_start3A_554 = arith.constant 0 : i32
        %dma_start3A_555 = tpu.memref_slice %arg8[%dma_start3A_552, %dma_start3A_553, %dma_start3A_554] : memref<2x128x128xf32, #tpu.memory_space<vmem>> -> memref<1x128x128xf32, #tpu.memory_space<vmem>>
        %dma_start3A_556 = tpu.memref_squeeze %dma_start3A_555 : memref<1x128x128xf32, #tpu.memory_space<vmem>> -> memref<128x128xf32, #tpu.memory_space<vmem>>
        %dma_start3A_557 = arith.constant 0 : i32
        %dma_start3A_558 = tpu.memref_slice %arg6[%dma_start3A_551, %dma_start3A_557] : memref<2x128xi32, #tpu.memory_space<vmem>> -> memref<1x128xi32, #tpu.memory_space<vmem>>
        %dma_start3A_559 = tpu.memref_squeeze %dma_start3A_558 : memref<1x128xi32, #tpu.memory_space<vmem>> -> memref<128xi32, #tpu.memory_space<vmem>>
        %dma_start3A_560 = arith.constant 0 : i32
        %dma_start3A_561 = arith.constant 0 : i32
        %dma_start3A_562 = tpu.memref_slice %arg2[%dma_start3A_560, %dma_start3A_561] : memref<10000x128xf32, #tpu.memory_space<hbm>> -> memref<10000x128xf32, #tpu.memory_space<hbm>>
        tpu.enqueue_indirect_dma source(%dma_start3A_562 : memref<10000x128xf32, #tpu.memory_space<hbm>>) target(%dma_start3A_556 : memref<128x128xf32, #tpu.memory_space<vmem>>) offsets(%dma_start3A_559 : memref<128xi32, #tpu.memory_space<vmem>>) semaphore(%arg12 : memref<!tpu.dma_semaphore, #tpu.memory_space<semaphore_mem>>)
      } else {
      }
      %dma_wait3A_310 = arith.constant 0 : i32
      %dma_wait3A_311 = arith.constant 0 : i32
      %dma_wait3A_312 = arith.constant 0 : i32
      %dma_wait3A_313 = arith.constant 0 : i32
      %dma_wait3A_314 = tpu.memref_slice %arg8[%dma_wait3A_311, %dma_wait3A_312, %dma_wait3A_313] : memref<2x128x128xf32, #tpu.memory_space<vmem>> -> memref<1x128x128xf32, #tpu.memory_space<vmem>>
      %dma_wait3A_315 = tpu.memref_squeeze %dma_wait3A_314 : memref<1x128x128xf32, #tpu.memory_space<vmem>> -> memref<128x128xf32, #tpu.memory_space<vmem>>
      %dma_wait3A_316 = arith.constant 0 : i32
      %dma_wait3A_317 = tpu.memref_slice %arg6[%dma_wait3A_310, %dma_wait3A_316] : memref<2x128xi32, #tpu.memory_space<vmem>> -> memref<1x128xi32, #tpu.memory_space<vmem>>
      %dma_wait3A_318 = tpu.memref_squeeze %dma_wait3A_317 : memref<1x128xi32, #tpu.memory_space<vmem>> -> memref<128xi32, #tpu.memory_space<vmem>>
      %dma_wait3A_319 = arith.constant 0 : i32
      %dma_wait3A_320 = arith.constant 0 : i32
      %dma_wait3A_321 = tpu.memref_slice %arg2[%dma_wait3A_319, %dma_wait3A_320] : memref<10000x128xf32, #tpu.memory_space<hbm>> -> memref<10000x128xf32, #tpu.memory_space<hbm>>
      tpu.wait_indirect_dma semaphore(%arg11 : memref<!tpu.dma_semaphore, #tpu.memory_space<semaphore_mem>>) src(%dma_wait3A_321 : memref<10000x128xf32, #tpu.memory_space<hbm>>) dst(%dma_wait3A_315 : memref<128x128xf32, #tpu.memory_space<vmem>>)
      %dma_start3A_322 = arith.constant 0 : i32
      %dma_start3A_323 = arith.constant 0 : i32
      %dma_start3A_324 = arith.constant 0 : i32
      %dma_start3A_325 = arith.constant 0 : i32
      %dma_start3A_326 = tpu.memref_slice %arg8[%dma_start3A_322, %dma_start3A_324, %dma_start3A_325] : memref<2x128x128xf32, #tpu.memory_space<vmem>> -> memref<1x128x128xf32, #tpu.memory_space<vmem>>
      %dma_start3A_327 = tpu.memref_squeeze %dma_start3A_326 : memref<1x128x128xf32, #tpu.memory_space<vmem>> -> memref<128x128xf32, #tpu.memory_space<vmem>>
      %dma_start3A_328 = arith.constant 0 : i32
      %dma_start3A_329 = tpu.memref_slice %arg7[%dma_start3A_323, %dma_start3A_328] : memref<2x128xi32, #tpu.memory_space<vmem>> -> memref<1x128xi32, #tpu.memory_space<vmem>>
      %dma_start3A_330 = tpu.memref_squeeze %dma_start3A_329 : memref<1x128xi32, #tpu.memory_space<vmem>> -> memref<128xi32, #tpu.memory_space<vmem>>
      %dma_start3A_331 = arith.constant 0 : i32
      %dma_start3A_332 = arith.constant 0 : i32
      %dma_start3A_333 = tpu.memref_slice %arg10[%dma_start3A_331, %dma_start3A_332] : memref<10000x128xf32, #tpu.memory_space<vmem_shared>> -> memref<10000x128xf32, #tpu.memory_space<vmem_shared>>
      tpu.enqueue_indirect_dma source(%dma_start3A_327 : memref<128x128xf32, #tpu.memory_space<vmem>>) target(%dma_start3A_333 : memref<10000x128xf32, #tpu.memory_space<vmem_shared>>) offsets(%dma_start3A_330 : memref<128xi32, #tpu.memory_space<vmem>>) semaphore(%arg13 : memref<!tpu.dma_semaphore, #tpu.memory_space<semaphore_mem>>) {add = true}
      %mul3A_334 = arith.constant 2 : i32
      %mul3A_335 = arith.muli %while3A_299, %mul3A_334 : i32
      %add3A_336 = arith.constant 1 : i32
      %add3A_337 = arith.addi %mul3A_335, %add3A_336 : i32
      %add3A_338 = arith.constant 1 : i32
      %add3A_339 = arith.addi %add3A_337, %add3A_338 : i32
      %lt3A_340 = arith.cmpi slt, %add3A_339, %select_n3A : i32
      %convert_element_type3A_341 = arith.extui %lt3A_340 : i1 to i32
      %cond3A_342 = arith.constant 0 : i32
      %cond3A_343 = arith.cmpi ne, %convert_element_type3A_341, %cond3A_342 : i32
      scf.if %cond3A_343 {
        %ge3A = arith.constant 1 : i32
        %ge3A_369 = arith.cmpi sge, %add3A_337, %ge3A : i32
        %convert_element_type3A_370 = arith.extui %ge3A_369 : i1 to i32
        %cond3A_371 = arith.constant 0 : i32
        %cond3A_372 = arith.cmpi ne, %convert_element_type3A_370, %cond3A_371 : i32
        scf.if %cond3A_372 {
          %dma_wait3A_563 = arith.constant 0 : i32
          %dma_wait3A_564 = arith.constant 0 : i32
          %dma_wait3A_565 = arith.constant 0 : i32
          %dma_wait3A_566 = arith.constant 0 : i32
          %dma_wait3A_567 = tpu.memref_slice %arg8[%dma_wait3A_563, %dma_wait3A_565, %dma_wait3A_566] : memref<2x128x128xf32, #tpu.memory_space<vmem>> -> memref<1x128x128xf32, #tpu.memory_space<vmem>>
          %dma_wait3A_568 = tpu.memref_squeeze %dma_wait3A_567 : memref<1x128x128xf32, #tpu.memory_space<vmem>> -> memref<128x128xf32, #tpu.memory_space<vmem>>
          %dma_wait3A_569 = arith.constant 0 : i32
          %dma_wait3A_570 = tpu.memref_slice %arg7[%dma_wait3A_564, %dma_wait3A_569] : memref<2x128xi32, #tpu.memory_space<vmem>> -> memref<1x128xi32, #tpu.memory_space<vmem>>
          %dma_wait3A_571 = tpu.memref_squeeze %dma_wait3A_570 : memref<1x128xi32, #tpu.memory_space<vmem>> -> memref<128xi32, #tpu.memory_space<vmem>>
          %dma_wait3A_572 = arith.constant 0 : i32
          %dma_wait3A_573 = arith.constant 0 : i32
          %dma_wait3A_574 = tpu.memref_slice %arg10[%dma_wait3A_572, %dma_wait3A_573] : memref<10000x128xf32, #tpu.memory_space<vmem_shared>> -> memref<10000x128xf32, #tpu.memory_space<vmem_shared>>
          tpu.wait_indirect_dma semaphore(%arg13 : memref<!tpu.dma_semaphore, #tpu.memory_space<semaphore_mem>>) src(%dma_wait3A_568 : memref<128x128xf32, #tpu.memory_space<vmem>>) dst(%dma_wait3A_574 : memref<10000x128xf32, #tpu.memory_space<vmem_shared>>)
        } else {
        }
        %add3A_373 = arith.constant 1 : i32
        %add3A_374 = arith.addi %add3A_337, %add3A_373 : i32
        %get3A_375 = arith.index_cast %add3A_374 : i32 to index
        %get3A_376 = arith.constant 0 : index
        %get3A_377 = tpu.vector_load %arg5[%get3A_375, %get3A_376] {strides = array<i32>} : memref<80x128xi32, #tpu.memory_space<vmem>>, vector<1x16xi32>,
        %get3A_378 = vector.shape_cast %get3A_377 : vector<1x16xi32> to vector<16xi32>
        %and3A_379 = arith.constant 65535 : i32
        %and3A_380 = vector.broadcast %and3A_379 : i32 to vector<16xi32>
        %and3A_381 = arith.andi %get3A_378, %and3A_380 : vector<16xi32>
        %swap3A_382 = arith.constant 0 : i32
        %swap3A_383 = arith.index_cast %swap3A_382 : i32 to index
        %swap3A_384 = arith.constant 0 : index
        %swap3A_385 = tpu.vector_load %arg6[%swap3A_383, %swap3A_384] {strides = array<i32>} : memref<2x128xi32, #tpu.memory_space<vmem>>, vector<1x16xi32>,
        %swap3A_386 = vector.shape_cast %swap3A_385 : vector<1x16xi32> to vector<16xi32>
        %swap3A_387 = vector.shape_cast %and3A_381 : vector<16xi32> to vector<1x16xi32>
        tpu.vector_store %arg6[%swap3A_383, %swap3A_384], %swap3A_387 {strides = array<i32>} : memref<2x128xi32, #tpu.memory_space<vmem>>, vector<1x16xi32>,
        %shift_right_logical3A_388 = arith.constant 16 : i32
        %shift_right_logical3A_389 = vector.broadcast %shift_right_logical3A_388 : i32 to vector<16xi32>
        %shift_right_logical3A_390 = arith.shrui %get3A_378, %shift_right_logical3A_389 : vector<16xi32>
        %swap3A_391 = arith.constant 0 : i32
        %swap3A_392 = arith.index_cast %swap3A_391 : i32 to index
        %swap3A_393 = arith.constant 0 : index
        %swap3A_394 = tpu.vector_load %arg7[%swap3A_392, %swap3A_393] {strides = array<i32>} : memref<2x128xi32, #tpu.memory_space<vmem>>, vector<1x16xi32>,
        %swap3A_395 = vector.shape_cast %swap3A_394 : vector<1x16xi32> to vector<16xi32>
        %swap3A_396 = vector.shape_cast %shift_right_logical3A_390 : vector<16xi32> to vector<1x16xi32>
        tpu.vector_store %arg7[%swap3A_392, %swap3A_393], %swap3A_396 {strides = array<i32>} : memref<2x128xi32, #tpu.memory_space<vmem>>, vector<1x16xi32>,
        %get3A_397 = arith.index_cast %add3A_374 : i32 to index
        %get3A_398 = arith.constant 16 : index
        %get3A_399 = tpu.vector_load %arg5[%get3A_397, %get3A_398] {strides = array<i32>} : memref<80x128xi32, #tpu.memory_space<vmem>>, vector<1x16xi32>,
        %get3A_400 = vector.shape_cast %get3A_399 : vector<1x16xi32> to vector<16xi32>
        %and3A_401 = arith.constant 65535 : i32
        %and3A_402 = vector.broadcast %and3A_401 : i32 to vector<16xi32>
        %and3A_403 = arith.andi %get3A_400, %and3A_402 : vector<16xi32>
        %swap3A_404 = arith.constant 0 : i32
        %swap3A_405 = arith.index_cast %swap3A_404 : i32 to index
        %swap3A_406 = arith.constant 16 : index
        %swap3A_407 = tpu.vector_load %arg6[%swap3A_405, %swap3A_406] {strides = array<i32>} : memref<2x128xi32, #tpu.memory_space<vmem>>, vector<1x16xi32>,
        %swap3A_408 = vector.shape_cast %swap3A_407 : vector<1x16xi32> to vector<16xi32>
        %swap3A_409 = vector.shape_cast %and3A_403 : vector<16xi32> to vector<1x16xi32>
        tpu.vector_store %arg6[%swap3A_405, %swap3A_406], %swap3A_409 {strides = array<i32>} : memref<2x128xi32, #tpu.memory_space<vmem>>, vector<1x16xi32>,
        %shift_right_logical3A_410 = arith.constant 16 : i32
        %shift_right_logical3A_411 = vector.broadcast %shift_right_logical3A_410 : i32 to vector<16xi32>
        %shift_right_logical3A_412 = arith.shrui %get3A_400, %shift_right_logical3A_411 : vector<16xi32>
        %swap3A_413 = arith.constant 0 : i32
        %swap3A_414 = arith.index_cast %swap3A_413 : i32 to index
        %swap3A_415 = arith.constant 16 : index
        %swap3A_416 = tpu.vector_load %arg7[%swap3A_414, %swap3A_415] {strides = array<i32>} : memref<2x128xi32, #tpu.memory_space<vmem>>, vector<1x16xi32>,
        %swap3A_417 = vector.shape_cast %swap3A_416 : vector<1x16xi32> to vector<16xi32>
        %swap3A_418 = vector.shape_cast %shift_right_logical3A_412 : vector<16xi32> to vector<1x16xi32>
        tpu.vector_store %arg7[%swap3A_414, %swap3A_415], %swap3A_418 {strides = array<i32>} : memref<2x128xi32, #tpu.memory_space<vmem>>, vector<1x16xi32>,
        %get3A_419 = arith.index_cast %add3A_374 : i32 to index
        %get3A_420 = arith.constant 32 : index
        %get3A_421 = tpu.vector_load %arg5[%get3A_419, %get3A_420] {strides = array<i32>} : memref<80x128xi32, #tpu.memory_space<vmem>>, vector<1x16xi32>,
        %get3A_422 = vector.shape_cast %get3A_421 : vector<1x16xi32> to vector<16xi32>
        %and3A_423 = arith.constant 65535 : i32
        %and3A_424 = vector.broadcast %and3A_423 : i32 to vector<16xi32>
        %and3A_425 = arith.andi %get3A_422, %and3A_424 : vector<16xi32>
        %swap3A_426 = arith.constant 0 : i32
        %swap3A_427 = arith.index_cast %swap3A_426 : i32 to index
        %swap3A_428 = arith.constant 32 : index
        %swap3A_429 = tpu.vector_load %arg6[%swap3A_427, %swap3A_428] {strides = array<i32>} : memref<2x128xi32, #tpu.memory_space<vmem>>, vector<1x16xi32>,
        %swap3A_430 = vector.shape_cast %swap3A_429 : vector<1x16xi32> to vector<16xi32>
        %swap3A_431 = vector.shape_cast %and3A_425 : vector<16xi32> to vector<1x16xi32>
        tpu.vector_store %arg6[%swap3A_427, %swap3A_428], %swap3A_431 {strides = array<i32>} : memref<2x128xi32, #tpu.memory_space<vmem>>, vector<1x16xi32>,
        %shift_right_logical3A_432 = arith.constant 16 : i32
        %shift_right_logical3A_433 = vector.broadcast %shift_right_logical3A_432 : i32 to vector<16xi32>
        %shift_right_logical3A_434 = arith.shrui %get3A_422, %shift_right_logical3A_433 : vector<16xi32>
        %swap3A_435 = arith.constant 0 : i32
        %swap3A_436 = arith.index_cast %swap3A_435 : i32 to index
        %swap3A_437 = arith.constant 32 : index
        %swap3A_438 = tpu.vector_load %arg7[%swap3A_436, %swap3A_437] {strides = array<i32>} : memref<2x128xi32, #tpu.memory_space<vmem>>, vector<1x16xi32>,
        %swap3A_439 = vector.shape_cast %swap3A_438 : vector<1x16xi32> to vector<16xi32>
        %swap3A_440 = vector.shape_cast %shift_right_logical3A_434 : vector<16xi32> to vector<1x16xi32>
        tpu.vector_store %arg7[%swap3A_436, %swap3A_437], %swap3A_440 {strides = array<i32>} : memref<2x128xi32, #tpu.memory_space<vmem>>, vector<1x16xi32>,
        %get3A_441 = arith.index_cast %add3A_374 : i32 to index
        %get3A_442 = arith.constant 48 : index
        %get3A_443 = tpu.vector_load %arg5[%get3A_441, %get3A_442] {strides = array<i32>} : memref<80x128xi32, #tpu.memory_space<vmem>>, vector<1x16xi32>,
        %get3A_444 = vector.shape_cast %get3A_443 : vector<1x16xi32> to vector<16xi32>
        %and3A_445 = arith.constant 65535 : i32
        %and3A_446 = vector.broadcast %and3A_445 : i32 to vector<16xi32>
        %and3A_447 = arith.andi %get3A_444, %and3A_446 : vector<16xi32>
        %swap3A_448 = arith.constant 0 : i32
        %swap3A_449 = arith.index_cast %swap3A_448 : i32 to index
        %swap3A_450 = arith.constant 48 : index
        %swap3A_451 = tpu.vector_load %arg6[%swap3A_449, %swap3A_450] {strides = array<i32>} : memref<2x128xi32, #tpu.memory_space<vmem>>, vector<1x16xi32>,
        %swap3A_452 = vector.shape_cast %swap3A_451 : vector<1x16xi32> to vector<16xi32>
        %swap3A_453 = vector.shape_cast %and3A_447 : vector<16xi32> to vector<1x16xi32>
        tpu.vector_store %arg6[%swap3A_449, %swap3A_450], %swap3A_453 {strides = array<i32>} : memref<2x128xi32, #tpu.memory_space<vmem>>, vector<1x16xi32>,
        %shift_right_logical3A_454 = arith.constant 16 : i32
        %shift_right_logical3A_455 = vector.broadcast %shift_right_logical3A_454 : i32 to vector<16xi32>
        %shift_right_logical3A_456 = arith.shrui %get3A_444, %shift_right_logical3A_455 : vector<16xi32>
        %swap3A_457 = arith.constant 0 : i32
        %swap3A_458 = arith.index_cast %swap3A_457 : i32 to index
        %swap3A_459 = arith.constant 48 : index
        %swap3A_460 = tpu.vector_load %arg7[%swap3A_458, %swap3A_459] {strides = array<i32>} : memref<2x128xi32, #tpu.memory_space<vmem>>, vector<1x16xi32>,
        %swap3A_461 = vector.shape_cast %swap3A_460 : vector<1x16xi32> to vector<16xi32>
        %swap3A_462 = vector.shape_cast %shift_right_logical3A_456 : vector<16xi32> to vector<1x16xi32>
        tpu.vector_store %arg7[%swap3A_458, %swap3A_459], %swap3A_462 {strides = array<i32>} : memref<2x128xi32, #tpu.memory_space<vmem>>, vector<1x16xi32>,
        %get3A_463 = arith.index_cast %add3A_374 : i32 to index
        %get3A_464 = arith.constant 64 : index
        %get3A_465 = tpu.vector_load %arg5[%get3A_463, %get3A_464] {strides = array<i32>} : memref<80x128xi32, #tpu.memory_space<vmem>>, vector<1x16xi32>,
        %get3A_466 = vector.shape_cast %get3A_465 : vector<1x16xi32> to vector<16xi32>
        %and3A_467 = arith.constant 65535 : i32
        %and3A_468 = vector.broadcast %and3A_467 : i32 to vector<16xi32>
        %and3A_469 = arith.andi %get3A_466, %and3A_468 : vector<16xi32>
        %swap3A_470 = arith.constant 0 : i32
        %swap3A_471 = arith.index_cast %swap3A_470 : i32 to index
        %swap3A_472 = arith.constant 64 : index
        %swap3A_473 = tpu.vector_load %arg6[%swap3A_471, %swap3A_472] {strides = array<i32>} : memref<2x128xi32, #tpu.memory_space<vmem>>, vector<1x16xi32>,
        %swap3A_474 = vector.shape_cast %swap3A_473 : vector<1x16xi32> to vector<16xi32>
        %swap3A_475 = vector.shape_cast %and3A_469 : vector<16xi32> to vector<1x16xi32>
        tpu.vector_store %arg6[%swap3A_471, %swap3A_472], %swap3A_475 {strides = array<i32>} : memref<2x128xi32, #tpu.memory_space<vmem>>, vector<1x16xi32>,
        %shift_right_logical3A_476 = arith.constant 16 : i32
        %shift_right_logical3A_477 = vector.broadcast %shift_right_logical3A_476 : i32 to vector<16xi32>
        %shift_right_logical3A_478 = arith.shrui %get3A_466, %shift_right_logical3A_477 : vector<16xi32>
        %swap3A_479 = arith.constant 0 : i32
        %swap3A_480 = arith.index_cast %swap3A_479 : i32 to index
        %swap3A_481 = arith.constant 64 : index
        %swap3A_482 = tpu.vector_load %arg7[%swap3A_480, %swap3A_481] {strides = array<i32>} : memref<2x128xi32, #tpu.memory_space<vmem>>, vector<1x16xi32>,
        %swap3A_483 = vector.shape_cast %swap3A_482 : vector<1x16xi32> to vector<16xi32>
        %swap3A_484 = vector.shape_cast %shift_right_logical3A_478 : vector<16xi32> to vector<1x16xi32>
        tpu.vector_store %arg7[%swap3A_480, %swap3A_481], %swap3A_484 {strides = array<i32>} : memref<2x128xi32, #tpu.memory_space<vmem>>, vector<1x16xi32>,
        %get3A_485 = arith.index_cast %add3A_374 : i32 to index
        %get3A_486 = arith.constant 80 : index
        %get3A_487 = tpu.vector_load %arg5[%get3A_485, %get3A_486] {strides = array<i32>} : memref<80x128xi32, #tpu.memory_space<vmem>>, vector<1x16xi32>,
        %get3A_488 = vector.shape_cast %get3A_487 : vector<1x16xi32> to vector<16xi32>
        %and3A_489 = arith.constant 65535 : i32
        %and3A_490 = vector.broadcast %and3A_489 : i32 to vector<16xi32>
        %and3A_491 = arith.andi %get3A_488, %and3A_490 : vector<16xi32>
        %swap3A_492 = arith.constant 0 : i32
        %swap3A_493 = arith.index_cast %swap3A_492 : i32 to index
        %swap3A_494 = arith.constant 80 : index
        %swap3A_495 = tpu.vector_load %arg6[%swap3A_493, %swap3A_494] {strides = array<i32>} : memref<2x128xi32, #tpu.memory_space<vmem>>, vector<1x16xi32>,
        %swap3A_496 = vector.shape_cast %swap3A_495 : vector<1x16xi32> to vector<16xi32>
        %swap3A_497 = vector.shape_cast %and3A_491 : vector<16xi32> to vector<1x16xi32>
        tpu.vector_store %arg6[%swap3A_493, %swap3A_494], %swap3A_497 {strides = array<i32>} : memref<2x128xi32, #tpu.memory_space<vmem>>, vector<1x16xi32>,
        %shift_right_logical3A_498 = arith.constant 16 : i32
        %shift_right_logical3A_499 = vector.broadcast %shift_right_logical3A_498 : i32 to vector<16xi32>
        %shift_right_logical3A_500 = arith.shrui %get3A_488, %shift_right_logical3A_499 : vector<16xi32>
        %swap3A_501 = arith.constant 0 : i32
        %swap3A_502 = arith.index_cast %swap3A_501 : i32 to index
        %swap3A_503 = arith.constant 80 : index
        %swap3A_504 = tpu.vector_load %arg7[%swap3A_502, %swap3A_503] {strides = array<i32>} : memref<2x128xi32, #tpu.memory_space<vmem>>, vector<1x16xi32>,
        %swap3A_505 = vector.shape_cast %swap3A_504 : vector<1x16xi32> to vector<16xi32>
        %swap3A_506 = vector.shape_cast %shift_right_logical3A_500 : vector<16xi32> to vector<1x16xi32>
        tpu.vector_store %arg7[%swap3A_502, %swap3A_503], %swap3A_506 {strides = array<i32>} : memref<2x128xi32, #tpu.memory_space<vmem>>, vector<1x16xi32>,
        %get3A_507 = arith.index_cast %add3A_374 : i32 to index
        %get3A_508 = arith.constant 96 : index
        %get3A_509 = tpu.vector_load %arg5[%get3A_507, %get3A_508] {strides = array<i32>} : memref<80x128xi32, #tpu.memory_space<vmem>>, vector<1x16xi32>,
        %get3A_510 = vector.shape_cast %get3A_509 : vector<1x16xi32> to vector<16xi32>
        %and3A_511 = arith.constant 65535 : i32
        %and3A_512 = vector.broadcast %and3A_511 : i32 to vector<16xi32>
        %and3A_513 = arith.andi %get3A_510, %and3A_512 : vector<16xi32>
        %swap3A_514 = arith.constant 0 : i32
        %swap3A_515 = arith.index_cast %swap3A_514 : i32 to index
        %swap3A_516 = arith.constant 96 : index
        %swap3A_517 = tpu.vector_load %arg6[%swap3A_515, %swap3A_516] {strides = array<i32>} : memref<2x128xi32, #tpu.memory_space<vmem>>, vector<1x16xi32>,
        %swap3A_518 = vector.shape_cast %swap3A_517 : vector<1x16xi32> to vector<16xi32>
        %swap3A_519 = vector.shape_cast %and3A_513 : vector<16xi32> to vector<1x16xi32>
        tpu.vector_store %arg6[%swap3A_515, %swap3A_516], %swap3A_519 {strides = array<i32>} : memref<2x128xi32, #tpu.memory_space<vmem>>, vector<1x16xi32>,
        %shift_right_logical3A_520 = arith.constant 16 : i32
        %shift_right_logical3A_521 = vector.broadcast %shift_right_logical3A_520 : i32 to vector<16xi32>
        %shift_right_logical3A_522 = arith.shrui %get3A_510, %shift_right_logical3A_521 : vector<16xi32>
        %swap3A_523 = arith.constant 0 : i32
        %swap3A_524 = arith.index_cast %swap3A_523 : i32 to index
        %swap3A_525 = arith.constant 96 : index
        %swap3A_526 = tpu.vector_load %arg7[%swap3A_524, %swap3A_525] {strides = array<i32>} : memref<2x128xi32, #tpu.memory_space<vmem>>, vector<1x16xi32>,
        %swap3A_527 = vector.shape_cast %swap3A_526 : vector<1x16xi32> to vector<16xi32>
        %swap3A_528 = vector.shape_cast %shift_right_logical3A_522 : vector<16xi32> to vector<1x16xi32>
        tpu.vector_store %arg7[%swap3A_524, %swap3A_525], %swap3A_528 {strides = array<i32>} : memref<2x128xi32, #tpu.memory_space<vmem>>, vector<1x16xi32>,
        %get3A_529 = arith.index_cast %add3A_374 : i32 to index
        %get3A_530 = arith.constant 112 : index
        %get3A_531 = tpu.vector_load %arg5[%get3A_529, %get3A_530] {strides = array<i32>} : memref<80x128xi32, #tpu.memory_space<vmem>>, vector<1x16xi32>,
        %get3A_532 = vector.shape_cast %get3A_531 : vector<1x16xi32> to vector<16xi32>
        %and3A_533 = arith.constant 65535 : i32
        %and3A_534 = vector.broadcast %and3A_533 : i32 to vector<16xi32>
        %and3A_535 = arith.andi %get3A_532, %and3A_534 : vector<16xi32>
        %swap3A_536 = arith.constant 0 : i32
        %swap3A_537 = arith.index_cast %swap3A_536 : i32 to index
        %swap3A_538 = arith.constant 112 : index
        %swap3A_539 = tpu.vector_load %arg6[%swap3A_537, %swap3A_538] {strides = array<i32>} : memref<2x128xi32, #tpu.memory_space<vmem>>, vector<1x16xi32>,
        %swap3A_540 = vector.shape_cast %swap3A_539 : vector<1x16xi32> to vector<16xi32>
        %swap3A_541 = vector.shape_cast %and3A_535 : vector<16xi32> to vector<1x16xi32>
        tpu.vector_store %arg6[%swap3A_537, %swap3A_538], %swap3A_541 {strides = array<i32>} : memref<2x128xi32, #tpu.memory_space<vmem>>, vector<1x16xi32>,
        %shift_right_logical3A_542 = arith.constant 16 : i32
        %shift_right_logical3A_543 = vector.broadcast %shift_right_logical3A_542 : i32 to vector<16xi32>
        %shift_right_logical3A_544 = arith.shrui %get3A_532, %shift_right_logical3A_543 : vector<16xi32>
        %swap3A_545 = arith.constant 0 : i32
        %swap3A_546 = arith.index_cast %swap3A_545 : i32 to index
        %swap3A_547 = arith.constant 112 : index
        %swap3A_548 = tpu.vector_load %arg7[%swap3A_546, %swap3A_547] {strides = array<i32>} : memref<2x128xi32, #tpu.memory_space<vmem>>, vector<1x16xi32>,
        %swap3A_549 = vector.shape_cast %swap3A_548 : vector<1x16xi32> to vector<16xi32>
        %swap3A_550 = vector.shape_cast %shift_right_logical3A_544 : vector<16xi32> to vector<1x16xi32>
        tpu.vector_store %arg7[%swap3A_546, %swap3A_547], %swap3A_550 {strides = array<i32>} : memref<2x128xi32, #tpu.memory_space<vmem>>, vector<1x16xi32>,
        %dma_start3A_551 = arith.constant 0 : i32
        %dma_start3A_552 = arith.constant 0 : i32
        %dma_start3A_553 = arith.constant 0 : i32
        %dma_start3A_554 = arith.constant 0 : i32
        %dma_start3A_555 = tpu.memref_slice %arg8[%dma_start3A_552, %dma_start3A_553, %dma_start3A_554] : memref<2x128x128xf32, #tpu.memory_space<vmem>> -> memref<1x128x128xf32, #tpu.memory_space<vmem>>
        %dma_start3A_556 = tpu.memref_squeeze %dma_start3A_555 : memref<1x128x128xf32, #tpu.memory_space<vmem>> -> memref<128x128xf32, #tpu.memory_space<vmem>>
        %dma_start3A_557 = arith.constant 0 : i32
        %dma_start3A_558 = tpu.memref_slice %arg6[%dma_start3A_551, %dma_start3A_557] : memref<2x128xi32, #tpu.memory_space<vmem>> -> memref<1x128xi32, #tpu.memory_space<vmem>>
        %dma_start3A_559 = tpu.memref_squeeze %dma_start3A_558 : memref<1x128xi32, #tpu.memory_space<vmem>> -> memref<128xi32, #tpu.memory_space<vmem>>
        %dma_start3A_560 = arith.constant 0 : i32
        %dma_start3A_561 = arith.constant 0 : i32
        %dma_start3A_562 = tpu.memref_slice %arg2[%dma_start3A_560, %dma_start3A_561] : memref<10000x128xf32, #tpu.memory_space<hbm>> -> memref<10000x128xf32, #tpu.memory_space<hbm>>
        tpu.enqueue_indirect_dma source(%dma_start3A_562 : memref<10000x128xf32, #tpu.memory_space<hbm>>) target(%dma_start3A_556 : memref<128x128xf32, #tpu.memory_space<vmem>>) offsets(%dma_start3A_559 : memref<128xi32, #tpu.memory_space<vmem>>) semaphore(%arg11 : memref<!tpu.dma_semaphore, #tpu.memory_space<semaphore_mem>>)
      } else {
      }
      %dma_wait3A_344 = arith.constant 1 : i32
      %dma_wait3A_345 = arith.constant 1 : i32
      %dma_wait3A_346 = arith.constant 0 : i32
      %dma_wait3A_347 = arith.constant 0 : i32
      %dma_wait3A_348 = tpu.memref_slice %arg8[%dma_wait3A_345, %dma_wait3A_346, %dma_wait3A_347] : memref<2x128x128xf32, #tpu.memory_space<vmem>> -> memref<1x128x128xf32, #tpu.memory_space<vmem>>
      %dma_wait3A_349 = tpu.memref_squeeze %dma_wait3A_348 : memref<1x128x128xf32, #tpu.memory_space<vmem>> -> memref<128x128xf32, #tpu.memory_space<vmem>>
      %dma_wait3A_350 = arith.constant 0 : i32
      %dma_wait3A_351 = tpu.memref_slice %arg6[%dma_wait3A_344, %dma_wait3A_350] : memref<2x128xi32, #tpu.memory_space<vmem>> -> memref<1x128xi32, #tpu.memory_space<vmem>>
      %dma_wait3A_352 = tpu.memref_squeeze %dma_wait3A_351 : memref<1x128xi32, #tpu.memory_space<vmem>> -> memref<128xi32, #tpu.memory_space<vmem>>
      %dma_wait3A_353 = arith.constant 0 : i32
      %dma_wait3A_354 = arith.constant 0 : i32
      %dma_wait3A_355 = tpu.memref_slice %arg2[%dma_wait3A_353, %dma_wait3A_354] : memref<10000x128xf32, #tpu.memory_space<hbm>> -> memref<10000x128xf32, #tpu.memory_space<hbm>>
      tpu.wait_indirect_dma semaphore(%arg12 : memref<!tpu.dma_semaphore, #tpu.memory_space<semaphore_mem>>) src(%dma_wait3A_355 : memref<10000x128xf32, #tpu.memory_space<hbm>>) dst(%dma_wait3A_349 : memref<128x128xf32, #tpu.memory_space<vmem>>)
      %dma_start3A_356 = arith.constant 1 : i32
      %dma_start3A_357 = arith.constant 1 : i32
      %dma_start3A_358 = arith.constant 0 : i32
      %dma_start3A_359 = arith.constant 0 : i32
      %dma_start3A_360 = tpu.memref_slice %arg8[%dma_start3A_356, %dma_start3A_358, %dma_start3A_359] : memref<2x128x128xf32, #tpu.memory_space<vmem>> -> memref<1x128x128xf32, #tpu.memory_space<vmem>>
      %dma_start3A_361 = tpu.memref_squeeze %dma_start3A_360 : memref<1x128x128xf32, #tpu.memory_space<vmem>> -> memref<128x128xf32, #tpu.memory_space<vmem>>
      %dma_start3A_362 = arith.constant 0 : i32
      %dma_start3A_363 = tpu.memref_slice %arg7[%dma_start3A_357, %dma_start3A_362] : memref<2x128xi32, #tpu.memory_space<vmem>> -> memref<1x128xi32, #tpu.memory_space<vmem>>
      %dma_start3A_364 = tpu.memref_squeeze %dma_start3A_363 : memref<1x128xi32, #tpu.memory_space<vmem>> -> memref<128xi32, #tpu.memory_space<vmem>>
      %dma_start3A_365 = arith.constant 0 : i32
      %dma_start3A_366 = arith.constant 0 : i32
      %dma_start3A_367 = tpu.memref_slice %arg10[%dma_start3A_365, %dma_start3A_366] : memref<10000x128xf32, #tpu.memory_space<vmem_shared>> -> memref<10000x128xf32, #tpu.memory_space<vmem_shared>>
      tpu.enqueue_indirect_dma source(%dma_start3A_361 : memref<128x128xf32, #tpu.memory_space<vmem>>) target(%dma_start3A_367 : memref<10000x128xf32, #tpu.memory_space<vmem_shared>>) offsets(%dma_start3A_364 : memref<128xi32, #tpu.memory_space<vmem>>) semaphore(%arg14 : memref<!tpu.dma_semaphore, #tpu.memory_space<semaphore_mem>>) {add = true}
      %while3A_368 = arith.constant 0 : i32
      scf.yield %while3A_368 : i32
    }
    %dma_wait3A = arith.constant 0 : i32
    %dma_wait3A_268 = arith.constant 0 : i32
    %dma_wait3A_269 = arith.constant 0 : i32
    %dma_wait3A_270 = arith.constant 0 : i32
    %dma_wait3A_271 = tpu.memref_slice %arg8[%dma_wait3A, %dma_wait3A_269, %dma_wait3A_270] : memref<2x128x128xf32, #tpu.memory_space<vmem>> -> memref<1x128x128xf32, #tpu.memory_space<vmem>>
    %dma_wait3A_272 = tpu.memref_squeeze %dma_wait3A_271 : memref<1x128x128xf32, #tpu.memory_space<vmem>> -> memref<128x128xf32, #tpu.memory_space<vmem>>
    %dma_wait3A_273 = arith.constant 0 : i32
    %dma_wait3A_274 = tpu.memref_slice %arg7[%dma_wait3A_268, %dma_wait3A_273] : memref<2x128xi32, #tpu.memory_space<vmem>> -> memref<1x128xi32, #tpu.memory_space<vmem>>
    %dma_wait3A_275 = tpu.memref_squeeze %dma_wait3A_274 : memref<1x128xi32, #tpu.memory_space<vmem>> -> memref<128xi32, #tpu.memory_space<vmem>>
    %dma_wait3A_276 = arith.constant 0 : i32
    %dma_wait3A_277 = arith.constant 0 : i32
    %dma_wait3A_278 = tpu.memref_slice %arg10[%dma_wait3A_276, %dma_wait3A_277] : memref<10000x128xf32, #tpu.memory_space<vmem_shared>> -> memref<10000x128xf32, #tpu.memory_space<vmem_shared>>
    tpu.wait_indirect_dma semaphore(%arg13 : memref<!tpu.dma_semaphore, #tpu.memory_space<semaphore_mem>>) src(%dma_wait3A_272 : memref<128x128xf32, #tpu.memory_space<vmem>>) dst(%dma_wait3A_278 : memref<10000x128xf32, #tpu.memory_space<vmem_shared>>)
    %dma_wait3A_279 = arith.constant 1 : i32
    %dma_wait3A_280 = arith.constant 1 : i32
    %dma_wait3A_281 = arith.constant 0 : i32
    %dma_wait3A_282 = arith.constant 0 : i32
    %dma_wait3A_283 = tpu.memref_slice %arg8[%dma_wait3A_279, %dma_wait3A_281, %dma_wait3A_282] : memref<2x128x128xf32, #tpu.memory_space<vmem>> -> memref<1x128x128xf32, #tpu.memory_space<vmem>>
    %dma_wait3A_284 = tpu.memref_squeeze %dma_wait3A_283 : memref<1x128x128xf32, #tpu.memory_space<vmem>> -> memref<128x128xf32, #tpu.memory_space<vmem>>
    %dma_wait3A_285 = arith.constant 0 : i32
    %dma_wait3A_286 = tpu.memref_slice %arg7[%dma_wait3A_280, %dma_wait3A_285] : memref<2x128xi32, #tpu.memory_space<vmem>> -> memref<1x128xi32, #tpu.memory_space<vmem>>
    %dma_wait3A_287 = tpu.memref_squeeze %dma_wait3A_286 : memref<1x128xi32, #tpu.memory_space<vmem>> -> memref<128xi32, #tpu.memory_space<vmem>>
    %dma_wait3A_288 = arith.constant 0 : i32
    %dma_wait3A_289 = arith.constant 0 : i32
    %dma_wait3A_290 = tpu.memref_slice %arg10[%dma_wait3A_288, %dma_wait3A_289] : memref<10000x128xf32, #tpu.memory_space<vmem_shared>> -> memref<10000x128xf32, #tpu.memory_space<vmem_shared>>
    tpu.wait_indirect_dma semaphore(%arg14 : memref<!tpu.dma_semaphore, #tpu.memory_space<semaphore_mem>>) src(%dma_wait3A_284 : memref<128x128xf32, #tpu.memory_space<vmem>>) dst(%dma_wait3A_290 : memref<10000x128xf32, #tpu.memory_space<vmem_shared>>)
    %barrier3A_291 = arith.constant 0 : index
    tpu.barrier barrier_id(%barrier3A_291)
    %mul3A_292 = arith.constant 624 : i32
    %mul3A_293 = arith.muli %arg1, %mul3A_292 : i32
    %mul3A_294 = arith.constant 624 : i32
    %mul3A_295 = arith.muli %arg1, %mul3A_294 : i32
    "tpu.region"() ({
      %run_scoped3A = tpu.sem_alloc : memref<!tpu.dma_semaphore, #tpu.memory_space<semaphore_mem>>
      %dma_start3A_299 = arith.constant 0 : i32
      %dma_start3A_300 = tpu.memref_slice %arg4[%arg0, %mul3A_295, %dma_start3A_299] : memref<2x10000x128xf32, #tpu.memory_space<hbm>> -> memref<1x624x128xf32, #tpu.memory_space<hbm>>
      %dma_start3A_301 = tpu.memref_squeeze %dma_start3A_300 : memref<1x624x128xf32, #tpu.memory_space<hbm>> -> memref<624x128xf32, #tpu.memory_space<hbm>>
      %dma_start3A_302 = arith.constant 0 : i32
      %dma_start3A_303 = tpu.memref_slice %arg10[%mul3A_293, %dma_start3A_302] : memref<10000x128xf32, #tpu.memory_space<vmem_shared>> -> memref<624x128xf32, #tpu.memory_space<vmem_shared>>
      tpu.enqueue_dma source(%dma_start3A_303 : memref<624x128xf32, #tpu.memory_space<vmem_shared>>) target(%dma_start3A_301 : memref<624x128xf32, #tpu.memory_space<hbm>>) target_semaphore(%run_scoped3A : memref<!tpu.dma_semaphore, #tpu.memory_space<semaphore_mem>>)
      %dma_wait3A_304 = arith.constant 0 : i32
      %dma_wait3A_305 = tpu.memref_slice %arg4[%arg0, %mul3A_295, %dma_wait3A_304] : memref<2x10000x128xf32, #tpu.memory_space<hbm>> -> memref<1x624x128xf32, #tpu.memory_space<hbm>>
      %dma_wait3A_306 = tpu.memref_squeeze %dma_wait3A_305 : memref<1x624x128xf32, #tpu.memory_space<hbm>> -> memref<624x128xf32, #tpu.memory_space<hbm>>
      %dma_wait3A_307 = arith.constant 0 : i32
      %dma_wait3A_308 = tpu.memref_slice %arg10[%mul3A_293, %dma_wait3A_307] : memref<10000x128xf32, #tpu.memory_space<vmem_shared>> -> memref<624x128xf32, #tpu.memory_space<vmem_shared>>
      tpu.wait_dma2 semaphore(%run_scoped3A : memref<!tpu.dma_semaphore, #tpu.memory_space<semaphore_mem>>) src(%dma_wait3A_308 : memref<624x128xf32, #tpu.memory_space<vmem_shared>>) dst(%dma_wait3A_306 : memref<624x128xf32, #tpu.memory_space<hbm>>)
      tpu.yield
    }) : () -> ()
    %eq3A_296 = arith.constant 15 : i32
    %eq3A_297 = arith.cmpi eq, %arg1, %eq3A_296 : i32
    %convert_element_type3A = arith.extui %eq3A_297 : i1 to i32
    %cond3A = arith.constant 0 : i32
    %cond3A_298 = arith.cmpi ne, %convert_element_type3A, %cond3A : i32
    scf.if %cond3A_298 {
      "tpu.region"() ({
        %run_scoped3A = tpu.sem_alloc : memref<!tpu.dma_semaphore, #tpu.memory_space<semaphore_mem>>
        %dma_start3A_299 = arith.constant 9984 : i32
        %dma_start3A_300 = arith.constant 0 : i32
        %dma_start3A_301 = tpu.memref_slice %arg4[%arg0, %dma_start3A_299, %dma_start3A_300] : memref<2x10000x128xf32, #tpu.memory_space<hbm>> -> memref<1x16x128xf32, #tpu.memory_space<hbm>>
        %dma_start3A_302 = tpu.memref_squeeze %dma_start3A_301 : memref<1x16x128xf32, #tpu.memory_space<hbm>> -> memref<16x128xf32, #tpu.memory_space<hbm>>
        %dma_start3A_303 = arith.constant 9984 : i32
        %dma_start3A_304 = arith.constant 0 : i32
        %dma_start3A_305 = tpu.memref_slice %arg10[%dma_start3A_303, %dma_start3A_304] : memref<10000x128xf32, #tpu.memory_space<vmem_shared>> -> memref<16x128xf32, #tpu.memory_space<vmem_shared>>
        tpu.enqueue_dma source(%dma_start3A_305 : memref<16x128xf32, #tpu.memory_space<vmem_shared>>) target(%dma_start3A_302 : memref<16x128xf32, #tpu.memory_space<hbm>>) target_semaphore(%run_scoped3A : memref<!tpu.dma_semaphore, #tpu.memory_space<semaphore_mem>>)
        %dma_wait3A_306 = arith.constant 9984 : i32
        %dma_wait3A_307 = arith.constant 0 : i32
        %dma_wait3A_308 = tpu.memref_slice %arg4[%arg0, %dma_wait3A_306, %dma_wait3A_307] : memref<2x10000x128xf32, #tpu.memory_space<hbm>> -> memref<1x16x128xf32, #tpu.memory_space<hbm>>
        %dma_wait3A_309 = tpu.memref_squeeze %dma_wait3A_308 : memref<1x16x128xf32, #tpu.memory_space<hbm>> -> memref<16x128xf32, #tpu.memory_space<hbm>>
        %dma_wait3A_310 = arith.constant 9984 : i32
        %dma_wait3A_311 = arith.constant 0 : i32
        %dma_wait3A_312 = tpu.memref_slice %arg10[%dma_wait3A_310, %dma_wait3A_311] : memref<10000x128xf32, #tpu.memory_space<vmem_shared>> -> memref<16x128xf32, #tpu.memory_space<vmem_shared>>
        tpu.wait_dma2 semaphore(%run_scoped3A : memref<!tpu.dma_semaphore, #tpu.memory_space<semaphore_mem>>) src(%dma_wait3A_312 : memref<16x128xf32, #tpu.memory_space<vmem_shared>>) dst(%dma_wait3A_309 : memref<16x128xf32, #tpu.memory_space<hbm>>)
        tpu.yield
      }) : () -> ()
    } else {
    }
    return
  }
}

module attributes {stable_mosaic.version = 14 : i64} {
  func.func @_mask_kernel(%arg0: i32, %arg1: memref<2000x128xf32, #tpu.memory_space<vmem>>, %arg2: memref<128x8xf32, #tpu.memory_space<vmem>>, %arg3: memref<2000x8xf32, #tpu.memory_space<vmem>>, %arg4: memref<8x128xf32, #tpu.memory_space<vmem>>, %arg5: memref<1x8xf32, #tpu.memory_space<vmem>>) attributes {dimension_semantics = [#tpu.dimension_semantics<arbitrary>], iteration_bounds = array<i64: 5>, scalar_prefetch = 0 : i64, scratch_operands = 0 : i64, tpu.core_type = #tpu.core_type<tc>, window_params = [{transform_indices = @transform_0, window_bounds = array<i64: 2000, 128>}, {pipeline_mode = #tpu.pipeline_mode<synchronous>, transform_indices = @transform_1, window_bounds = array<i64: 128, 8>}, {transform_indices = @transform_2, window_bounds = array<i64: 2000, 8>}, {pipeline_mode = #tpu.pipeline_mode<synchronous>, transform_indices = @transform_3, window_bounds = array<i64: 8, 128>}, {pipeline_mode = #tpu.pipeline_mode<synchronous>, transform_indices = @transform_4, window_bounds = array<i64: 1, 8>}]} {
    %get3A = arith.constant 0 : index
    %get3A_0 = arith.constant 0 : index
    %get3A_1 = vector.load %arg1[%get3A, %get3A_0] : memref<2000x128xf32, #tpu.memory_space<vmem>>, vector<2000x128xf32>
    %get3A_2 = arith.constant 0 : index
    %get3A_3 = arith.constant 0 : index
    %get3A_4 = vector.load %arg2[%get3A_2, %get3A_3] : memref<128x8xf32, #tpu.memory_space<vmem>>, vector<128x8xf32>
    %dot_general3A = arith.constant dense<0.000000e+00> : vector<2000x8xf32>
    %dot_general3A_5 = tpu.matmul %get3A_1, %get3A_4, %dot_general3A {dimension_numbers = #tpu.dot_dimension_numbers<[1], [0], [0], [1], [0, 0, 1, 1], [], []>, transpose_lhs_hint = false} : vector<2000x128xf32>, vector<128x8xf32>, vector<2000x8xf32> -> vector<2000x8xf32>
    %reduce_max3A = arith.constant dense<0xFF800000> : vector<2000xf32>
    %reduce_max3A_6 = vector.multi_reduction <maximumf>, %dot_general3A_5, %reduce_max3A [1] : vector<2000x8xf32> to vector<2000xf32>
    %broadcast_in_dim3A = vector.shape_cast %reduce_max3A_6 : vector<2000xf32> to vector<2000x1xf32>
    %sub3A = vector.broadcast %broadcast_in_dim3A : vector<2000x1xf32> to vector<2000x8xf32>
    %sub3A_7 = arith.subf %dot_general3A_5, %sub3A : vector<2000x8xf32>
    %exp3A = math.exp %sub3A_7 : vector<2000x8xf32>
    %reduce_sum3A = arith.constant dense<0.000000e+00> : vector<2000xf32>
    %reduce_sum3A_8 = vector.multi_reduction <add>, %exp3A, %reduce_sum3A [1] : vector<2000x8xf32> to vector<2000xf32>
    %broadcast_in_dim3A_9 = vector.shape_cast %reduce_sum3A_8 : vector<2000xf32> to vector<2000x1xf32>
    %div3A = vector.broadcast %broadcast_in_dim3A_9 : vector<2000x1xf32> to vector<2000x8xf32>
    %div3A_10 = arith.divf %exp3A, %div3A : vector<2000x8xf32>
    %swap3A = arith.constant 0 : index
    %swap3A_11 = arith.constant 0 : index
    %swap3A_12 = vector.load %arg3[%swap3A, %swap3A_11] : memref<2000x8xf32, #tpu.memory_space<vmem>>, vector<2000x8xf32>
    tpu.vector_store %arg3[%swap3A, %swap3A_11], %div3A_10 {strides = array<i32>} : memref<2000x8xf32, #tpu.memory_space<vmem>>, vector<2000x8xf32>,
    %get3A_13 = arith.constant 0 : index
    %get3A_14 = arith.constant 0 : index
    %get3A_15 = vector.load %arg1[%get3A_13, %get3A_14] : memref<2000x128xf32, #tpu.memory_space<vmem>>, vector<2000x128xf32>
    %dot_general3A_16 = arith.constant dense<0.000000e+00> : vector<8x128xf32>
    %dot_general3A_17 = tpu.matmul %div3A_10, %get3A_15, %dot_general3A_16 {dimension_numbers = #tpu.dot_dimension_numbers<[0], [0], [1], [1], [0, 1, 1, 1], [], []>, transpose_lhs_hint = false} : vector<2000x8xf32>, vector<2000x128xf32>, vector<8x128xf32> -> vector<8x128xf32>
    %reduce_sum3A_18 = arith.constant dense<0.000000e+00> : vector<8xf32>
    %reduce_sum3A_19 = vector.multi_reduction <add>, %div3A_10, %reduce_sum3A_18 [0] : vector<2000x8xf32> to vector<8xf32>
    %broadcast_in_dim3A_20 = vector.shape_cast %reduce_sum3A_19 : vector<8xf32> to vector<1x8xf32>
    %eq3A = arith.constant 0 : i32
    %eq3A_21 = arith.cmpi eq, %arg0, %eq3A : i32
    %convert_element_type3A = arith.extui %eq3A_21 : i1 to i32
    %cond3A = arith.constant 0 : i32
    %cond3A_22 = arith.cmpi ne, %convert_element_type3A, %cond3A : i32
    scf.if %cond3A_22 {
      %swap3A_27 = arith.constant 0 : index
      %swap3A_28 = arith.constant 0 : index
      %swap3A_29 = vector.load %arg4[%swap3A_27, %swap3A_28] : memref<8x128xf32, #tpu.memory_space<vmem>>, vector<8x128xf32>
      tpu.vector_store %arg4[%swap3A_27, %swap3A_28], %dot_general3A_17 {strides = array<i32>} : memref<8x128xf32, #tpu.memory_space<vmem>>, vector<8x128xf32>,
      %swap3A_30 = arith.constant 0 : index
      %swap3A_31 = arith.constant 0 : index
      %swap3A_32 = vector.load %arg5[%swap3A_30, %swap3A_31] : memref<1x8xf32, #tpu.memory_space<vmem>>, vector<1x8xf32>
      tpu.vector_store %arg5[%swap3A_30, %swap3A_31], %broadcast_in_dim3A_20 {strides = array<i32>} : memref<1x8xf32, #tpu.memory_space<vmem>>, vector<1x8xf32>,
    } else {
    }
    %gt3A = arith.constant 0 : i32
    %gt3A_23 = arith.cmpi sgt, %arg0, %gt3A : i32
    %convert_element_type3A_24 = arith.extui %gt3A_23 : i1 to i32
    %cond3A_25 = arith.constant 0 : i32
    %cond3A_26 = arith.cmpi ne, %convert_element_type3A_24, %cond3A_25 : i32
    scf.if %cond3A_26 {
      %get3A_27 = arith.constant 0 : index
      %get3A_28 = arith.constant 0 : index
      %get3A_29 = vector.load %arg4[%get3A_27, %get3A_28] : memref<8x128xf32, #tpu.memory_space<vmem>>, vector<8x128xf32>
      %add3A = arith.addf %get3A_29, %dot_general3A_17 : vector<8x128xf32>
      %swap3A_30 = arith.constant 0 : index
      %swap3A_31 = arith.constant 0 : index
      %swap3A_32 = vector.load %arg4[%swap3A_30, %swap3A_31] : memref<8x128xf32, #tpu.memory_space<vmem>>, vector<8x128xf32>
      tpu.vector_store %arg4[%swap3A_30, %swap3A_31], %add3A {strides = array<i32>} : memref<8x128xf32, #tpu.memory_space<vmem>>, vector<8x128xf32>,
      %get3A_33 = arith.constant 0 : index
      %get3A_34 = arith.constant 0 : index
      %get3A_35 = vector.load %arg5[%get3A_33, %get3A_34] : memref<1x8xf32, #tpu.memory_space<vmem>>, vector<1x8xf32>
      %add3A_36 = arith.addf %get3A_35, %broadcast_in_dim3A_20 : vector<1x8xf32>
      %swap3A_37 = arith.constant 0 : index
      %swap3A_38 = arith.constant 0 : index
      %swap3A_39 = vector.load %arg5[%swap3A_37, %swap3A_38] : memref<1x8xf32, #tpu.memory_space<vmem>>, vector<1x8xf32>
      tpu.vector_store %arg5[%swap3A_37, %swap3A_38], %add3A_36 {strides = array<i32>} : memref<1x8xf32, #tpu.memory_space<vmem>>, vector<1x8xf32>,
    } else {
    }
    return
  }
  func.func @transform_0(%arg0: i32) -> (i32, i32) {
    %c0_i32 = arith.constant 0 : i32
    %c0_i32_0 = arith.constant 0 : i32
    return %arg0, %c0_i32 : i32, i32
  }
  func.func @transform_1(%arg0: i32) -> (i32, i32) {
    %c0_i32 = arith.constant 0 : i32
    %c0_i32_0 = arith.constant 0 : i32
    %c0_i32_1 = arith.constant 0 : i32
    return %c0_i32, %c0_i32_0 : i32, i32
  }
  func.func @transform_2(%arg0: i32) -> (i32, i32) {
    %c0_i32 = arith.constant 0 : i32
    %c0_i32_0 = arith.constant 0 : i32
    return %arg0, %c0_i32 : i32, i32
  }
  func.func @transform_3(%arg0: i32) -> (i32, i32) {
    %c0_i32 = arith.constant 0 : i32
    %c0_i32_0 = arith.constant 0 : i32
    %c0_i32_1 = arith.constant 0 : i32
    return %c0_i32, %c0_i32_0 : i32, i32
  }
  func.func @transform_4(%arg0: i32) -> (i32, i32) {
    %c0_i32 = arith.constant 0 : i32
    %c0_i32_0 = arith.constant 0 : i32
    %c0_i32_1 = arith.constant 0 : i32
    return %c0_i32, %c0_i32_0 : i32, i32
  }
}

module attributes {stable_mosaic.version = 14 : i64} {
  func.func @_final_kernel(%arg0: i32, %arg1: memref<2000x128xf32, #tpu.memory_space<vmem>>, %arg2: memref<2000x8xf32, #tpu.memory_space<vmem>>, %arg3: memref<2000x128xf32, #tpu.memory_space<vmem>>, %arg4: memref<2000x128xf32, #tpu.memory_space<vmem>>, %arg5: memref<8x128xf32, #tpu.memory_space<vmem>>, %arg6: memref<1x8xf32, #tpu.memory_space<vmem>>, %arg7: memref<128x128xf32, #tpu.memory_space<vmem>>, %arg8: memref<128x128xf32, #tpu.memory_space<vmem>>, %arg9: memref<128x128xf32, #tpu.memory_space<vmem>>, %arg10: memref<128x128xf32, #tpu.memory_space<vmem>>, %arg11: memref<128x128xf32, #tpu.memory_space<vmem>>, %arg12: memref<128x128xf32, #tpu.memory_space<vmem>>, %arg13: memref<128x128xf32, #tpu.memory_space<vmem>>, %arg14: memref<1x128xf32, #tpu.memory_space<vmem>>, %arg15: memref<1x128xf32, #tpu.memory_space<vmem>>, %arg16: memref<1x128xf32, #tpu.memory_space<vmem>>) attributes {dimension_semantics = [#tpu.dimension_semantics<arbitrary>], iteration_bounds = array<i64: 5>, scalar_prefetch = 0 : i64, scratch_operands = 1 : i64, tpu.core_type = #tpu.core_type<tc>, window_params = [{transform_indices = @transform_0, window_bounds = array<i64: 2000, 128>}, {transform_indices = @transform_1, window_bounds = array<i64: 2000, 8>}, {transform_indices = @transform_2, window_bounds = array<i64: 2000, 128>}, {transform_indices = @transform_3, window_bounds = array<i64: 2000, 128>}, {pipeline_mode = #tpu.pipeline_mode<synchronous>, transform_indices = @transform_4, window_bounds = array<i64: 8, 128>}, {pipeline_mode = #tpu.pipeline_mode<synchronous>, transform_indices = @transform_5, window_bounds = array<i64: 1, 8>}, {pipeline_mode = #tpu.pipeline_mode<synchronous>, transform_indices = @transform_6, window_bounds = array<i64: 128, 128>}, {pipeline_mode = #tpu.pipeline_mode<synchronous>, transform_indices = @transform_7, window_bounds = array<i64: 128, 128>}, {pipeline_mode = #tpu.pipeline_mode<synchronous>, transform_indices = @transform_8, window_bounds = array<i64: 128, 128>}, {pipeline_mode = #tpu.pipeline_mode<synchronous>, transform_indices = @transform_9, window_bounds = array<i64: 128, 128>}, {pipeline_mode = #tpu.pipeline_mode<synchronous>, transform_indices = @transform_10, window_bounds = array<i64: 128, 128>}, {pipeline_mode = #tpu.pipeline_mode<synchronous>, transform_indices = @transform_11, window_bounds = array<i64: 128, 128>}, {pipeline_mode = #tpu.pipeline_mode<synchronous>, transform_indices = @transform_12, window_bounds = array<i64: 128, 128>}, {pipeline_mode = #tpu.pipeline_mode<synchronous>, transform_indices = @transform_13, window_bounds = array<i64: 1, 128>}, {pipeline_mode = #tpu.pipeline_mode<synchronous>, transform_indices = @transform_14, window_bounds = array<i64: 1, 128>}]} {
    %get3A = arith.constant 0 : index
    %get3A_0 = arith.constant 0 : index
    %get3A_1 = vector.load %arg6[%get3A, %get3A_0] : memref<1x8xf32, #tpu.memory_space<vmem>>, vector<1x8xf32>
    %reshape3A = vector.shape_cast %get3A_1 : vector<1x8xf32> to vector<8x1xf32>
    %add3A = arith.constant 9.99999997E-7 : f32
    %add3A_2 = vector.broadcast %add3A : f32 to vector<8x1xf32>
    %add3A_3 = arith.addf %reshape3A, %add3A_2 : vector<8x1xf32>
    %get3A_4 = arith.constant 0 : index
    %get3A_5 = arith.constant 0 : index
    %get3A_6 = vector.load %arg5[%get3A_4, %get3A_5] : memref<8x128xf32, #tpu.memory_space<vmem>>, vector<8x128xf32>
    %get3A_7 = arith.constant 0 : index
    %get3A_8 = arith.constant 0 : index
    %get3A_9 = vector.load %arg7[%get3A_7, %get3A_8] : memref<128x128xf32, #tpu.memory_space<vmem>>, vector<128x128xf32>
    %dot_general3A = arith.constant dense<0.000000e+00> : vector<8x128xf32>
    %dot_general3A_10 = tpu.matmul %get3A_6, %get3A_9, %dot_general3A {dimension_numbers = #tpu.dot_dimension_numbers<[1], [0], [0], [1], [0, 0, 1, 1], [], []>, transpose_lhs_hint = false} : vector<8x128xf32>, vector<128x128xf32>, vector<8x128xf32> -> vector<8x128xf32>
    %div3A = vector.broadcast %add3A_3 : vector<8x1xf32> to vector<8x128xf32>
    %div3A_11 = arith.divf %dot_general3A_10, %div3A : vector<8x128xf32>
    %get3A_12 = arith.constant 0 : index
    %get3A_13 = arith.constant 0 : index
    %get3A_14 = vector.load %arg9[%get3A_12, %get3A_13] : memref<128x128xf32, #tpu.memory_space<vmem>>, vector<128x128xf32>
    %dot_general3A_15 = arith.constant dense<0.000000e+00> : vector<8x128xf32>
    %dot_general3A_16 = tpu.matmul %div3A_11, %get3A_14, %dot_general3A_15 {dimension_numbers = #tpu.dot_dimension_numbers<[1], [0], [0], [1], [0, 0, 1, 1], [], []>, transpose_lhs_hint = false} : vector<8x128xf32>, vector<128x128xf32>, vector<8x128xf32> -> vector<8x128xf32>
    %get3A_17 = arith.constant 0 : index
    %get3A_18 = arith.constant 0 : index
    %get3A_19 = vector.load %arg3[%get3A_17, %get3A_18] : memref<2000x128xf32, #tpu.memory_space<vmem>>, vector<2000x128xf32>
    %get3A_20 = arith.constant 0 : index
    %get3A_21 = arith.constant 0 : index
    %get3A_22 = vector.load %arg4[%get3A_20, %get3A_21] : memref<2000x128xf32, #tpu.memory_space<vmem>>, vector<2000x128xf32>
    %add3A_23 = arith.addf %get3A_19, %get3A_22 : vector<2000x128xf32>
    %get3A_24 = arith.constant 0 : index
    %get3A_25 = arith.constant 0 : index
    %get3A_26 = vector.load %arg8[%get3A_24, %get3A_25] : memref<128x128xf32, #tpu.memory_space<vmem>>, vector<128x128xf32>
    %dot_general3A_27 = arith.constant dense<0.000000e+00> : vector<2000x128xf32>
    %dot_general3A_28 = tpu.matmul %add3A_23, %get3A_26, %dot_general3A_27 {dimension_numbers = #tpu.dot_dimension_numbers<[1], [0], [0], [1], [0, 0, 1, 1], [], []>, transpose_lhs_hint = false} : vector<2000x128xf32>, vector<128x128xf32>, vector<2000x128xf32> -> vector<2000x128xf32>
    %get3A_29 = arith.constant 0 : index
    %get3A_30 = arith.constant 0 : index
    %get3A_31 = vector.load %arg2[%get3A_29, %get3A_30] : memref<2000x8xf32, #tpu.memory_space<vmem>>, vector<2000x8xf32>
    %dot_general3A_32 = arith.constant dense<0.000000e+00> : vector<2000x128xf32>
    %dot_general3A_33 = tpu.matmul %get3A_31, %dot_general3A_16, %dot_general3A_32 {dimension_numbers = #tpu.dot_dimension_numbers<[1], [0], [0], [1], [0, 0, 1, 1], [], []>, transpose_lhs_hint = false} : vector<2000x8xf32>, vector<8x128xf32>, vector<2000x128xf32> -> vector<2000x128xf32>
    %add3A_34 = arith.addf %dot_general3A_28, %dot_general3A_33 : vector<2000x128xf32>
    %get3A_35 = arith.constant 0 : index
    %get3A_36 = arith.constant 0 : index
    %get3A_37 = vector.load %arg1[%get3A_35, %get3A_36] : memref<2000x128xf32, #tpu.memory_space<vmem>>, vector<2000x128xf32>
    %add3A_38 = arith.addf %add3A_34, %get3A_37 : vector<2000x128xf32>
    %max3A = arith.constant 0.000000e+00 : f32
    %max3A_39 = vector.broadcast %max3A : f32 to vector<2000x128xf32>
    %max3A_40 = arith.maximumf %add3A_38, %max3A_39 : vector<2000x128xf32>
    %reduce_sum3A = arith.constant dense<0.000000e+00> : vector<128xf32>
    %reduce_sum3A_41 = vector.multi_reduction <add>, %max3A_40, %reduce_sum3A [0] : vector<2000x128xf32> to vector<128xf32>
    %broadcast_in_dim3A = vector.shape_cast %reduce_sum3A_41 : vector<128xf32> to vector<1x128xf32>
    %eq3A = arith.constant 0 : i32
    %eq3A_42 = arith.cmpi eq, %arg0, %eq3A : i32
    %convert_element_type3A = arith.extui %eq3A_42 : i1 to i32
    %cond3A = arith.constant 0 : i32
    %cond3A_43 = arith.cmpi ne, %convert_element_type3A, %cond3A : i32
    scf.if %cond3A_43 {
      %swap3A = arith.constant 0 : index
      %swap3A_53 = arith.constant 0 : index
      %swap3A_54 = vector.load %arg16[%swap3A, %swap3A_53] : memref<1x128xf32, #tpu.memory_space<vmem>>, vector<1x128xf32>
      tpu.vector_store %arg16[%swap3A, %swap3A_53], %broadcast_in_dim3A {strides = array<i32>} : memref<1x128xf32, #tpu.memory_space<vmem>>, vector<1x128xf32>,
    } else {
    }
    %gt3A = arith.constant 0 : i32
    %gt3A_44 = arith.cmpi sgt, %arg0, %gt3A : i32
    %convert_element_type3A_45 = arith.extui %gt3A_44 : i1 to i32
    %cond3A_46 = arith.constant 0 : i32
    %cond3A_47 = arith.cmpi ne, %convert_element_type3A_45, %cond3A_46 : i32
    scf.if %cond3A_47 {
      %get3A_53 = arith.constant 0 : index
      %get3A_54 = arith.constant 0 : index
      %get3A_55 = vector.load %arg16[%get3A_53, %get3A_54] : memref<1x128xf32, #tpu.memory_space<vmem>>, vector<1x128xf32>
      %add3A_56 = arith.addf %get3A_55, %broadcast_in_dim3A : vector<1x128xf32>
      %swap3A = arith.constant 0 : index
      %swap3A_57 = arith.constant 0 : index
      %swap3A_58 = vector.load %arg16[%swap3A, %swap3A_57] : memref<1x128xf32, #tpu.memory_space<vmem>>, vector<1x128xf32>
      tpu.vector_store %arg16[%swap3A, %swap3A_57], %add3A_56 {strides = array<i32>} : memref<1x128xf32, #tpu.memory_space<vmem>>, vector<1x128xf32>,
    } else {
    }
    %eq3A_48 = arith.constant 4 : i32
    %eq3A_49 = arith.cmpi eq, %arg0, %eq3A_48 : i32
    %convert_element_type3A_50 = arith.extui %eq3A_49 : i1 to i32
    %cond3A_51 = arith.constant 0 : i32
    %cond3A_52 = arith.cmpi ne, %convert_element_type3A_50, %cond3A_51 : i32
    scf.if %cond3A_52 {
      %get3A_53 = arith.constant 0 : index
      %get3A_54 = arith.constant 0 : index
      %get3A_55 = vector.load %arg5[%get3A_53, %get3A_54] : memref<8x128xf32, #tpu.memory_space<vmem>>, vector<8x128xf32>
      %get3A_56 = arith.constant 0 : index
      %get3A_57 = arith.constant 0 : index
      %get3A_58 = vector.load %arg10[%get3A_56, %get3A_57] : memref<128x128xf32, #tpu.memory_space<vmem>>, vector<128x128xf32>
      %dot_general3A_59 = arith.constant dense<0.000000e+00> : vector<8x128xf32>
      %dot_general3A_60 = tpu.matmul %get3A_55, %get3A_58, %dot_general3A_59 {dimension_numbers = #tpu.dot_dimension_numbers<[1], [0], [0], [1], [0, 0, 1, 1], [], []>, transpose_lhs_hint = false} : vector<8x128xf32>, vector<128x128xf32>, vector<8x128xf32> -> vector<8x128xf32>
      %div3A_61 = vector.broadcast %add3A_3 : vector<8x1xf32> to vector<8x128xf32>
      %div3A_62 = arith.divf %dot_general3A_60, %div3A_61 : vector<8x128xf32>
      %reduce_sum3A_63 = arith.constant dense<0.000000e+00> : vector<128xf32>
      %reduce_sum3A_64 = vector.multi_reduction <add>, %div3A_11, %reduce_sum3A_63 [0] : vector<8x128xf32> to vector<128xf32>
      %broadcast_in_dim3A_65 = vector.shape_cast %reduce_sum3A_64 : vector<128xf32> to vector<1x128xf32>
      %sub3A = vector.broadcast %broadcast_in_dim3A_65 : vector<1x128xf32> to vector<8x128xf32>
      %sub3A_66 = arith.subf %sub3A, %div3A_11 : vector<8x128xf32>
      %get3A_67 = arith.constant 0 : index
      %get3A_68 = arith.constant 0 : index
      %get3A_69 = vector.load %arg11[%get3A_67, %get3A_68] : memref<128x128xf32, #tpu.memory_space<vmem>>, vector<128x128xf32>
      %dot_general3A_70 = arith.constant dense<0.000000e+00> : vector<8x128xf32>
      %dot_general3A_71 = tpu.matmul %sub3A_66, %get3A_69, %dot_general3A_70 {dimension_numbers = #tpu.dot_dimension_numbers<[1], [0], [0], [1], [0, 0, 1, 1], [], []>, transpose_lhs_hint = false} : vector<8x128xf32>, vector<128x128xf32>, vector<8x128xf32> -> vector<8x128xf32>
      %div3A_72 = arith.constant 7.000000e+00 : f32
      %div3A_73 = vector.broadcast %div3A_72 : f32 to vector<8x128xf32>
      %div3A_74 = arith.divf %dot_general3A_71, %div3A_73 : vector<8x128xf32>
      %add3A_75 = arith.addf %div3A_62, %div3A_74 : vector<8x128xf32>
      %add3A_76 = arith.addf %add3A_75, %div3A_11 : vector<8x128xf32>
      %max3A_77 = arith.constant 0.000000e+00 : f32
      %max3A_78 = vector.broadcast %max3A_77 : f32 to vector<8x128xf32>
      %max3A_79 = arith.maximumf %add3A_76, %max3A_78 : vector<8x128xf32>
      %reduce_sum3A_80 = arith.constant dense<0.000000e+00> : vector<128xf32>
      %reduce_sum3A_81 = vector.multi_reduction <add>, %max3A_79, %reduce_sum3A_80 [0] : vector<8x128xf32> to vector<128xf32>
      %broadcast_in_dim3A_82 = vector.shape_cast %reduce_sum3A_81 : vector<128xf32> to vector<1x128xf32>
      %div3A_83 = arith.constant 8.000000e+00 : f32
      %div3A_84 = vector.broadcast %div3A_83 : f32 to vector<1x128xf32>
      %div3A_85 = arith.divf %broadcast_in_dim3A_82, %div3A_84 : vector<1x128xf32>
      %get3A_86 = arith.constant 0 : index
      %get3A_87 = arith.constant 0 : index
      %get3A_88 = vector.load %arg16[%get3A_86, %get3A_87] : memref<1x128xf32, #tpu.memory_space<vmem>>, vector<1x128xf32>
      %mul3A = arith.constant 9.99999974E-5 : f32
      %mul3A_89 = vector.broadcast %mul3A : f32 to vector<1x128xf32>
      %mul3A_90 = arith.mulf %get3A_88, %mul3A_89 : vector<1x128xf32>
      %get3A_91 = arith.constant 0 : index
      %get3A_92 = arith.constant 0 : index
      %get3A_93 = vector.load %arg12[%get3A_91, %get3A_92] : memref<128x128xf32, #tpu.memory_space<vmem>>, vector<128x128xf32>
      %dot_general3A_94 = arith.constant dense<0.000000e+00> : vector<1x128xf32>
      %dot_general3A_95 = tpu.matmul %mul3A_90, %get3A_93, %dot_general3A_94 {dimension_numbers = #tpu.dot_dimension_numbers<[1], [0], [0], [1], [0, 0, 1, 1], [], []>, transpose_lhs_hint = false} : vector<1x128xf32>, vector<128x128xf32>, vector<1x128xf32> -> vector<1x128xf32>
      %get3A_96 = arith.constant 0 : index
      %get3A_97 = arith.constant 0 : index
      %get3A_98 = vector.load %arg13[%get3A_96, %get3A_97] : memref<128x128xf32, #tpu.memory_space<vmem>>, vector<128x128xf32>
      %dot_general3A_99 = arith.constant dense<0.000000e+00> : vector<1x128xf32>
      %dot_general3A_100 = tpu.matmul %div3A_85, %get3A_98, %dot_general3A_99 {dimension_numbers = #tpu.dot_dimension_numbers<[1], [0], [0], [1], [0, 0, 1, 1], [], []>, transpose_lhs_hint = false} : vector<1x128xf32>, vector<128x128xf32>, vector<1x128xf32> -> vector<1x128xf32>
      %add3A_101 = arith.addf %dot_general3A_95, %dot_general3A_100 : vector<1x128xf32>
      %get3A_102 = arith.constant 0 : index
      %get3A_103 = arith.constant 0 : index
      %get3A_104 = vector.load %arg14[%get3A_102, %get3A_103] : memref<1x128xf32, #tpu.memory_space<vmem>>, vector<1x128xf32>
      %add3A_105 = arith.addf %add3A_101, %get3A_104 : vector<1x128xf32>
      %swap3A = arith.constant 0 : index
      %swap3A_106 = arith.constant 0 : index
      %swap3A_107 = vector.load %arg15[%swap3A, %swap3A_106] : memref<1x128xf32, #tpu.memory_space<vmem>>, vector<1x128xf32>
      tpu.vector_store %arg15[%swap3A, %swap3A_106], %add3A_105 {strides = array<i32>} : memref<1x128xf32, #tpu.memory_space<vmem>>, vector<1x128xf32>,
    } else {
    }
    return
  }
  func.func @transform_0(%arg0: i32) -> (i32, i32) {
    %c0_i32 = arith.constant 0 : i32
    %c0_i32_0 = arith.constant 0 : i32
    return %arg0, %c0_i32 : i32, i32
  }
  func.func @transform_1(%arg0: i32) -> (i32, i32) {
    %c0_i32 = arith.constant 0 : i32
    %c0_i32_0 = arith.constant 0 : i32
    return %arg0, %c0_i32 : i32, i32
  }
  func.func @transform_2(%arg0: i32) -> (i32, i32) {
    %c0_i32 = arith.constant 0 : i32
    %c0_i32_0 = arith.constant 0 : i32
    return %arg0, %c0_i32 : i32, i32
  }
  func.func @transform_3(%arg0: i32) -> (i32, i32) {
    %c0_i32 = arith.constant 0 : i32
    %c0_i32_0 = arith.constant 0 : i32
    return %arg0, %c0_i32 : i32, i32
  }
  func.func @transform_4(%arg0: i32) -> (i32, i32) {
    %c0_i32 = arith.constant 0 : i32
    %c0_i32_0 = arith.constant 0 : i32
    %c0_i32_1 = arith.constant 0 : i32
    return %c0_i32, %c0_i32_0 : i32, i32
  }
  func.func @transform_5(%arg0: i32) -> (i32, i32) {
    %c0_i32 = arith.constant 0 : i32
    %c0_i32_0 = arith.constant 0 : i32
    %c0_i32_1 = arith.constant 0 : i32
    return %c0_i32, %c0_i32_0 : i32, i32
  }
  func.func @transform_6(%arg0: i32) -> (i32, i32) {
    %c0_i32 = arith.constant 0 : i32
    %c0_i32_0 = arith.constant 0 : i32
    %c0_i32_1 = arith.constant 0 : i32
    return %c0_i32, %c0_i32_0 : i32, i32
  }
  func.func @transform_7(%arg0: i32) -> (i32, i32) {
    %c0_i32 = arith.constant 0 : i32
    %c0_i32_0 = arith.constant 0 : i32
    %c0_i32_1 = arith.constant 0 : i32
    return %c0_i32, %c0_i32_0 : i32, i32
  }
  func.func @transform_8(%arg0: i32) -> (i32, i32) {
    %c0_i32 = arith.constant 0 : i32
    %c0_i32_0 = arith.constant 0 : i32
    %c0_i32_1 = arith.constant 0 : i32
    return %c0_i32, %c0_i32_0 : i32, i32
  }
  func.func @transform_9(%arg0: i32) -> (i32, i32) {
    %c0_i32 = arith.constant 0 : i32
    %c0_i32_0 = arith.constant 0 : i32
    %c0_i32_1 = arith.constant 0 : i32
    return %c0_i32, %c0_i32_0 : i32, i32
  }
  func.func @transform_10(%arg0: i32) -> (i32, i32) {
    %c0_i32 = arith.constant 0 : i32
    %c0_i32_0 = arith.constant 0 : i32
    %c0_i32_1 = arith.constant 0 : i32
    return %c0_i32, %c0_i32_0 : i32, i32
  }
  func.func @transform_11(%arg0: i32) -> (i32, i32) {
    %c0_i32 = arith.constant 0 : i32
    %c0_i32_0 = arith.constant 0 : i32
    %c0_i32_1 = arith.constant 0 : i32
    return %c0_i32, %c0_i32_0 : i32, i32
  }
  func.func @transform_12(%arg0: i32) -> (i32, i32) {
    %c0_i32 = arith.constant 0 : i32
    %c0_i32_0 = arith.constant 0 : i32
    %c0_i32_1 = arith.constant 0 : i32
    return %c0_i32, %c0_i32_0 : i32, i32
  }
  func.func @transform_13(%arg0: i32) -> (i32, i32) {
    %c0_i32 = arith.constant 0 : i32
    %c0_i32_0 = arith.constant 0 : i32
    %c0_i32_1 = arith.constant 0 : i32
    return %c0_i32, %c0_i32_0 : i32, i32
  }
  func.func @transform_14(%arg0: i32) -> (i32, i32) {
    %c0_i32 = arith.constant 0 : i32
    %c0_i32_0 = arith.constant 0 : i32
    %c0_i32_1 = arith.constant 0 : i32
    return %c0_i32, %c0_i32_0 : i32, i32
  }
}

</mosaic_0001>

<sc_bundles>
// kernel: kernel.5.cloned.1.call-start
scs
__scs_entry_jumppad:
0x0: {  	(pc) =	sbr.rel $0x88, $3  }
0x1: {  	(tag) =	ssettag $0x0;
	lr =	simm.s32 $0x1  }
0x2: {  	[smem:$0x3F97] =	sst lr;
	_ =	strace $0xD0000000  }
0x3: {  	_ = 	snop  }
0x4: {  	_ = 	snop  }
0x5: {  	_ = 	snop  }
0x6: {  	_ = 	snop  }
0x7: {  	_ = 	snop  }
__scs_overlays_trampoline_lowered:
0x8: {  	[smem:$0x3FA6] =	sst s0  }
0x9: {  	[smem:$0x3FA7] =	sst s1  }
0xa: {  	[smem:$0x3FA8] =	sst s2  }
0xb: {  	[smem:$0x3FA9] =	sst s3  }
0xc: {  	[smem:$0x3FAA] =	sst s4  }
0xd: {  	[smem:$0x3FAB] =	sst s5  }
0xe: {  	[smem:$0x3FAC] =	sst s6  }
0xf: {  	[smem:$0x3FAD] =	sst s7  }
0x10: {  	[smem:$0x3FAE] =	sst s8  }
0x11: {  	[smem:$0x3FAF] =	sst s9;
	s0 =	simm.s32 @!p0 $0x0  }
0x12: {  	s1 =	sld [smem:$0x3F95];
	s0 =	simm.s32 @p0 $0x1  }
0x13: {  	[smem:$0x3FB0] =	sst s0;
	s0 =	simm.s32 @!p1 $0x0  }
0x14: {  	s2 =	sld [smem:$0x3F94];
	s0 =	simm.s32 @p1 $0x1  }
0x15: {  	[smem:$0x3FB1] =	sst s0;
	s0 =	simm.s32 @!p2 $0x0  }
0x16: {  	s3 =	sld [smem:$0x3FDB];
	s0 =	simm.s32 @p2 $0x1  }
0x17: {  	s4 =	simm.s32 $0x1BF5;
	[smem:$0x3FB3] =	sst s0  }
0x18: {  	s0 =	sld [smem:$0x3F96];
	_ =	swait.ge [sflag:s4], $0x0  }
0x19: {  	s7 =	sld [smem:$0x3F97]  }
0x1a: {  	s8 =	sadd.s32 $0xFFFFE003, lr  }
0x1b: {  	s9 =	sadd.s32 $0xFFFFFEF7, lr;
	s5 =	simm.s32 $0xFFFFFFFF;
	p2 =	slt.u32 s8, $0xFFFFF086  }
0x1c: {  	p1 =	slt.u32 s9, $0xF7A;
	s5 =	simm.s32 @!p2 $0x0  }
0x1d: {  	s5 =	simm.s32 @p1 $0x1;
	p0 =	seq.s32 s7, s2  }
0x1e: {  	s7 =	smul.u32 @!p0 $0xF7A, s2;
	p2 =	seq.s32 @!p0 s5, $0x0  }
0x1f: {  	s9 =	smul.u32 $0xF7A, s1;
	s8 =	simm.s32 @!p0 $0x1BF5;
	p2 =	por !p2, p0  }
0x20: {  	[sflag:s8] =	ssyncset.s32 @!p0 $0xFFFFF086;
	s6 =	sadd.s32 @!p0 s3, s7;
	s7 =	simm.s32 @!p0 $0x108  }
0x21: {  	s3 =	sadd.s32 s3, s9;
	s6 =	sadd.s32 @!p0 $0x88, s6;
	s7 =	simm.s32 @p2 $0x1082  }
0x22: {  	[simem:s7], [sflag:s8] =	dma.local @!p0 [hbm:s6], $0xF7A  }
0x23: {  	s9 =	sor.u32 $0xD0000000, s2;
	s6 =	simm.s32 $0x108;
	_ =	swait.ge @!p0 [sflag:s8], $0x0  }
0x24: {  	s3 =	sadd.s32 $0x88, s3;
	s6 =	simm.s32 @!p1 $0x1082;
	[sflag:s4] =	ssyncset.s32 $0xFFFFF086  }
0x25: {  	[simem:s6], [sflag:s4] =	dma.local [hbm:s3], $0xF7A  }
0x26: {  	[smem:$0x3F97] =	sst s1;
	(tag) =	ssettag s2;
	_ =	strace s9  }
0x27: {  	s1 =	sld [smem:$0x3FA7]  }
0x28: {  	s2 =	sld [smem:$0x3FA8]  }
0x29: {  	s4 =	sld [smem:$0x3FAA]  }
0x2a: {  	p0 =	seq.s32 s5, $0x0;
	s5 =	sld [smem:$0x3FAB]  }
0x2b: {  	s6 =	sld [smem:$0x3FAC]  }
0x2c: {  	s7 =	sld [smem:$0x3FAD]  }
0x2d: {  	s3 =	simm.s32 $0x108;
	s8 =	sld [smem:$0x3FAE]  }
0x2e: {  	s3 =	simm.s32 @!p0 $0x1082;
	s9 =	sld [smem:$0x3FAF]  }
0x2f: {  	lr =	sadd.s32 s0, s3;
	s0 =	sld [smem:$0x3FA6]  }
0x30: {  	s3 =	sld [smem:$0x3FA9]  }
0x31: {  	[smem:$0x3FB2] =	sst s10  }
0x32: {  	s10 =	sld [smem:$0x3FB0];
	_ =	sdelay $0x3  }
0x33: {  	p0 =	seq.s32 s10, $0x1;
	s10 =	sld [smem:$0x3FB2];
	_ =	sdelay $0x3  }
0x34: {  	[smem:$0x3FB2] =	sst s10  }
0x35: {  	s10 =	sld [smem:$0x3FB1];
	_ =	sdelay $0x3  }
0x36: {  	p1 =	seq.s32 s10, $0x1;
	s10 =	sld [smem:$0x3FB2];
	_ =	sdelay $0x3  }
0x37: {  	[smem:$0x3FB2] =	sst s10  }
0x38: {  	s10 =	sld [smem:$0x3FB3]  }
0x39: {  	_ = 	snop;
	(pc) =	sbr.ind lr, $3  }
0x3a: {  	_ = 	snop  }
0x3b: {  	_ = 	snop  }
0x3c: {  	p2 =	seq.s32 s10, $0x1;
	s10 =	sld [smem:$0x3FB2]  }
0x3d: {  	_ =	shalt  }
0x3e: {  	_ =	shalt  }
0x3f: {  	_ =	shalt  }
0x40: {  	_ =	shalt  }
0x41: {  	_ =	shalt  }
0x42: {  	_ =	shalt  }
0x43: {  	_ =	shalt  }
0x44: {  	_ =	shalt  }
0x45: {  	_ =	shalt  }
0x46: {  	_ =	shalt  }
0x47: {  	_ =	shalt  }
0x48: {  	_ =	shalt  }
0x49: {  	_ =	shalt  }
0x4a: {  	_ =	shalt  }
0x4b: {  	_ =	shalt  }
0x4c: {  	_ =	shalt  }
0x4d: {  	_ =	shalt  }
0x4e: {  	_ =	shalt  }
0x4f: {  	_ =	shalt  }
0x50: {  	_ =	shalt  }
0x51: {  	_ =	shalt  }
0x52: {  	_ =	shalt  }
0x53: {  	_ =	shalt  }
0x54: {  	_ =	shalt  }
0x55: {  	_ =	shalt  }
0x56: {  	_ =	shalt  }
0x57: {  	_ =	shalt  }
0x58: {  	_ =	shalt  }
0x59: {  	_ =	shalt  }
0x5a: {  	_ =	shalt  }
0x5b: {  	_ =	shalt  }
0x5c: {  	_ =	shalt  }
0x5d: {  	_ =	shalt  }
0x5e: {  	_ =	shalt  }
0x5f: {  	_ =	shalt  }
0x60: {  	_ =	shalt  }
0x61: {  	_ =	shalt  }
0x62: {  	_ =	shalt  }
0x63: {  	_ =	shalt  }
0x64: {  	_ =	shalt  }
0x65: {  	_ =	shalt  }
0x66: {  	_ =	shalt  }
0x67: {  	_ =	shalt  }
0x68: {  	_ =	shalt  }
0x69: {  	_ =	shalt  }
0x6a: {  	_ =	shalt  }
0x6b: {  	_ =	shalt  }
0x6c: {  	_ =	shalt  }
0x6d: {  	_ =	shalt  }
0x6e: {  	_ =	shalt  }
0x6f: {  	_ =	shalt  }
0x70: {  	_ =	shalt  }
0x71: {  	_ =	shalt  }
0x72: {  	_ =	shalt  }
0x73: {  	_ =	shalt  }
0x74: {  	_ =	shalt  }
0x75: {  	_ =	shalt  }
0x76: {  	_ =	shalt  }
0x77: {  	_ =	shalt  }
0x78: {  	_ =	shalt  }
0x79: {  	_ =	shalt  }
0x7a: {  	_ =	shalt  }
0x7b: {  	_ =	shalt  }
0x7c: {  	_ =	shalt  }
0x7d: {  	_ =	shalt  }
0x7e: {  	_ =	shalt  }
0x7f: {  	_ =	shalt  }
0x80: {  	_ =	shalt  }
0x81: {  	_ =	shalt  }
0x82: {  	_ =	shalt  }
0x83: {  	_ =	shalt  }
0x84: {  	_ =	shalt  }
0x85: {  	_ =	shalt  }
0x86: {  	_ =	shalt  }
0x87: {  	_ =	shalt  }
.Lfunc_end0:
.L_simem_size_0:
called_computation_lowered:
.L_overlay_start_0:
0x88: {  	s2 =	sld [smem:$0x3FD9]  }
0x89: {  	s3 =	sld [smem:$0x3FFE];
	_ =	sdelay $0x1  }
0x8a: {  	s1 =	srdreg.scid  }
0x8b: {  	s0 =	sand.u32 $0x1, s1  }
0x8c: {  	s17 =	sshll.u32 s0, $0xA;
	s2 =	sadd.s32 s3, s2  }
0x8d: {  	s2 =	sadd.s32 s2, s17  }
0x8e: {  	[smem:$0x3FBE] =	sst s2  }
0x8f: {  	_ = 	snop  }
0x90: {  	s2 =	sld [smem:$0x3FC9];
	(tm) =	ssettm $0x1  }
0x91: {  	s18 =	sld [smem:$0x3FFB];
	_ =	sdelay $0x3  }
0x92: {  	_ =	strace s18  }
0x93: {  	s3 =	sld [smem:$0x3FFC];
	_ =	sdelay $0x3  }
0x94: {  	_ =	strace s3  }
0x95: {  	s3 =	sld [smem:$0x3FFD];
	_ =	sdelay $0x3  }
0x96: {  	_ =	strace s3  }
0x97: {  	_ =	strace $0x8FFFFFFF  }
0x98: {  	s19 =	sld [smem:$0x3FDB];
	_ =	sdelay $0x1  }
0x99: {  	s4 =	simm.s32 $_scs_section_size  }
0x9a: {  	s5 =	simm.s32 $_size__tile_overlayer_lowered;
	s6 =	simm.s32 $_tile_overlayer_lowered  }
0x9b: {  	s22 =	simm.s32 $0x1BFF;
	s21 =	sshll.u32 s6, $0x1;
	s3 =	sadd.s32 s4, s19  }
0x9c: {  	s7 =	simm.s32 $0x0;
	s20 =	sshll.u32 s5, $0x1;
	s5 =	sadd.s32 s21, s3  }
0x9d: {  	[timem:s7], [sflag:s22] =	dma.local [hbm:s5], s20  }
0x9e: {  	_ =	swait.ge [sflag:s22], s20  }
0x9f: {  	s4 =	ssub.s32 $0x0, s20;
	[sflag:s22] =	ssyncset.done $0x0  }
0xa0: {  	[sflag:s22] =	ssyncadd.s32 s4;
	_ =	sdelay $0x1  }
0xa1: {  	s23 =	simm.s32 $0x1B8B  }
0xa2: {  	_ =	swait.ge [sflag:s23], $0x1  }
0xa3: {  	[sflag:s23] =	ssyncset.done $0x0  }
0xa4: {  	s25 =	simm.s32 $0x1B8E;
	s24 =	sld [smem:$0x3FFE];
	[sflag:s23] =	ssyncadd.s32 $0xFFFFFFFF  }
0xa5: {  	s26 =	simm.s32 $execute0_lowered;
	[smem:$0x3FD2] =	sst s25  }
0xa6: {  	s5 =	sshll.u32 s26, $0x1;
	_ =	strace $0x80000046;
	[dreg:$0x1] =	wrdreg $0xFFFFFFFF  }
0xa7: {  	s28 =	simm.s32 $_size_execute0_lowered;
	s3 =	sadd.s32 s3, s5;
	[dreg:$0x0] =	wrdreg $0x0  }
0xa8: {  	s5 =	sshll.u32 s28, $0x1;
	[dreg:$0x2] =	wrdreg s3  }
0xa9: {  	[dreg:$0x3] =	wrdreg s5  }
0xaa: {  	[dreg:$0x4] =	wrdreg $0xC0  }
0xab: {  	_ =	task [dreg:s7], $0x5FFFF  }
0xac: {  	[dreg:$0x1] =	wrdreg $0xFFFFFFFF  }
0xad: {  	[dreg:$0x0] =	wrdreg $0x60  }
0xae: {  	[dreg:$0x2] =	wrdreg s2  }
0xaf: {  	[dreg:$0x3] =	wrdreg s24  }
0xb0: {  	[dreg:$0x4] =	wrdreg $0xB2000  }
0xb1: {  	[dreg:$0x5] =	wrdreg $0x9  }
0xb2: {  	_ =	task.clear_ibuf [dreg:s7], $0x6FFFF;
	_ =	strace $0x90000046  }
0xb3: {  	s29 =	simm.s32 $0x9;
	_ =	strace $0x80000048  }
0xb4: {  	_ =	swait.ge [sflag:s29], $0x1  }
0xb5: {  	[sflag:s29] =	ssyncadd.s32 $0xFFFFFFFF  }
0xb6: {  	_ =	strace $0x90000048  }
0xb7: {  	_ =	sfence  }
0xb8: {  	s30 =	sld [smem:$0x0];
	_ =	sdelay $0x2  }
0xb9: {  	s31 =	sshll.u32 s1, $0xD;
	s1 =	sshrl.u32 s1, $0x2  }
0xba: {  	s3 =	sand.u32 $0x4000, s31;
	s1 =	sadd.s32 s1, s30  }
0xbb: {  	s0 =	sor.u32 s3, s0;
	s1 =	sshll.u32 s1, $0x11  }
0xbc: {  	s0 =	sor.u32 s1, s0  }
0xbd: {  	s0 =	sadd.s32 $0x8F2B, s0  }
0xbe: {  	[sflag:s0] =	ssyncadd.remote.s32 $0x1  }
0xbf: {  	_ =	sfence.sel $0xFFFF  }
0xc0: {  	[dreg:$0x0] =	wrdreg $0xFFFFFFFF;
	(pc) =	sbr.abs _section_cstart, $3  }
0xc1: {  	[dreg:$0x1] =	wrdreg $0xFFFFFFFF  }
0xc2: {  	_ =	task.clear_ibuf [dreg:s7], $0x2FFFF;
	_ =	strace $0x9FFFFFFF  }
0xc3: {  	(tm) =	ssettm $0x7FFFFFFF  }
tec
execute0_lowered:
.L_overlay_start_1:
0x0: {  	(tag) =	ssettag $0x1  }
0x1: {  	s0 =	rddreg [dreg:$0x0]  }
0x2: {  	s1 =	srdreg.scid;
	s5 =	rddreg [dreg:$0x1]  }
0x3: {  	s3 =	rddreg [dreg:$0x2];
	s2 =	stileid.u32;
	s4 =	simm.s32 $0x0  }
0x4: {  	s14 =	simm.s32 $0x80;
	s16 =	simm.s32 $0x2A00;
	s17 =	simm.s32 $0xAA00  }
0x5: {  	s18 =	simm.s32 $0x5;
	s19 =	simm.s32 $0x1;
	s20 =	simm.s32 $0x2900  }
0x6: {  	s21 =	simm.s32 $0x2;
	s22 =	simm.s32 $0x2980;
	s23 =	simm.s32 $0x6A00  }
0x7: {  	s24 =	simm.s32 $0x3;
	s28 =	simm.s32 $0x0;
	s1 =	sand.u32 $0x1, s1  }
0x8: {  	[smem:$0x7FF] =	sst s4;
	s10 =	sadd.s32 $0xBE00, s5;
	s9 =	smul.u32 $0x4E000, s2  }
0x9: {  	s12 =	smul.u32 $0x13800, s2;
	s6 =	sshll.u32 s1, $0x4;
	_ =	strace $0x80000047  }
0xa: {  	s8 =	ssub.s32 $0x2, s1;
	s1 =	smul.u32 $0x138800, s1;
	s6 =	sor.u32 s2, s6  }
0xb: {  	s11 =	sshrl.u32 s8, $0x1;
	s29 =	sshrl.u32 s9, $0x2;
	s7 =	smul.u32 $0x500, s6  }
0xc: {  	p0 =	seq.s32 s6, $0x1F;
	s6 =	simm.s32 $0x28;
	s13 =	ssub.s32 s8, s11  }
0xd: {  	s30 =	sadd.s32 s12, s1;
	s1 =	sshrl.u32 s1, $0x3;
	s8 =	sadd.s32 s29, s3  }
0xe: {  	s31 =	sshrl.u32 s30, $0x3;
	s1 =	sadd.s32 s10, s1;
	s12 =	smax.u32 s13, $0x1  }
0xf: {  	s13 =	simm.s32 $0x6;
	s7 =	sadd.s32 s7, s5;
	s5 =	simm.s32 $0x14  }
0x10: {  	s10 =	sadd.s32 s10, s31;
	s11 =	sadd.s32 $0x27000, s1;
	s1 =	sadd.s32 $0x138000, s3  }
0x11: {  	s5 =	simm.s32 @!p0 $0x50;
	p0 =	seq.s32 s2, $0xF;
	s26 =	sadd.s32 $0x1E00, s7  }
0x12: {  	[dreg:$0x4] =	wrdreg s26;
	s6 =	simm.s32 @!p0 $0x27;
	p0 =	sne.s32 s2, $0xF  }
0x13: {  	v0 =	vimm.f32 $0.0e+00;
	s9 =	sshrl.u32 s5, $0x1;
	s26 =	simm.s32 $0x4;
	s25 =	sshrl.u32 @!p0 s1, $0x3  }
.LBB2_1:
0x14: {  	s1 =	simm.s32 $0x0;
	s2 =	rddreg [dreg:$0x4]  }
0x15: {  	[tilespmem:s1], [sflag:$0x6] =	stream.linear.gather [hbm4b:s2+s1], $0x2800, $0x38;
	[tilespmem:$0x1EA80] =	vst v63  }
0x16: {  	_ =	swait.ge [sflag:s13], $0x2800  }
0x17: {  	[sflag:s13] =	ssyncset.done $0x0  }
0x18: {  	[sflag:s13] =	ssyncadd.s32 $0xFFFFD800  }
0x19: {  	v1 =	vld [tilespmem:$0x0];
	_ =	sdelay $0x1  }
0x1a: {  	v2 =	vld [tilespmem:$0x10];
	_ =	sdelay $0x1  }
0x1b: {  	v3 =	vld [tilespmem:$0x20]  }
0x1c: {  	v4 =	vand.u32 $0xFFFF, v1  }
0x1d: {  	v62 =	vld [tilespmem:$0x30];
	v1 =	vshrl.u32 v1, $0x10;
	[tilespmem:$0x2800] =	vst v4  }
0x1e: {  	[tilespmem:$0x2900] =	vst v1;
	v1 =	vand.u32 $0xFFFF, v2  }
0x1f: {  	[tilespmem:$0x2810] =	vst v1;
	v1 =	vshrl.u32 v2, $0x10;
	v2 =	vld [tilespmem:$0x40]  }
0x20: {  	[tilespmem:$0x2910] =	vst v1;
	v1 =	vand.u32 $0xFFFF, v3  }
0x21: {  	[tilespmem:$0x2820] =	vst v1;
	v1 =	vshrl.u32 v3, $0x10;
	v3 =	vld [tilespmem:$0x50]  }
0x22: {  	[tilespmem:$0x2920] =	vst v1;
	v1 =	vand.u32 $0xFFFF, v62  }
0x23: {  	v63 =	vld [tilespmem:$0x60];
	[tilespmem:$0x2830] =	vst v1;
	v1 =	vshrl.u32 v62, $0x10  }
0x24: {  	[tilespmem:$0x2930] =	vst v1;
	v1 =	vand.u32 $0xFFFF, v2  }
0x25: {  	[tilespmem:$0x2840] =	vst v1;
	v1 =	vshrl.u32 v2, $0x10;
	v2 =	vld [tilespmem:$0x70]  }
0x26: {  	[tilespmem:$0x2940] =	vst v1;
	v1 =	vand.u32 $0xFFFF, v3  }
0x27: {  	[tilespmem:$0x2850] =	vst v1;
	v1 =	vshrl.u32 v3, $0x10  }
0x28: {  	[tilespmem:$0x2950] =	vst v1;
	v1 =	vand.u32 $0xFFFF, v63  }
0x29: {  	[tilespmem:$0x2860] =	vst v1;
	v1 =	vshrl.u32 v63, $0x10  }
0x2a: {  	[tilespmem:$0x2960] =	vst v1;
	v1 =	vand.u32 $0xFFFF, v2  }
0x2b: {  	[tilespmem:$0x2870] =	vst v1;
	v1 =	vshrl.u32 v2, $0x10  }
0x2c: {  	s31 =	simm.s32 $0x2800;
	s29 =	simm.s32 $0x200;
	s1 =	simm.s32 $0x0;
	[tilespmem:$0x2970] =	vst v1  }
0x2d: {  	[tilespmem:s16], [sflag:$0x1] =	stream.indirect.gather [hbm4b:s0+s14], $0x80, s31, s14, $0xb8;
	[tilespmem:$0x1EA80] =	vst v63  }
.LBB2_2:
0x2e: {  	p1 =	sne.s32 s29, $0x1E00;
	[tilespmem:s1+$0xAA70] =	vst v0  }
0x2f: {  	[tilespmem:s1+$0xAA00] =	vst v0  }
0x30: {  	[tilespmem:s1+$0xAA10] =	vst v0  }
.Ltmp0:
0x31: {  	[tilespmem:s1+$0xAA20] =	vst v0;
	(pc) =	sbr.rel @p1 .LBB2_2-.Ltmp0, $4  }
0x32: {  	[tilespmem:s1+$0xAA30] =	vst v0  }
0x33: {  	[tilespmem:s1+$0xAA40] =	vst v0  }
0x34: {  	[tilespmem:s1+$0xAA50] =	vst v0  }
0x35: {  	[tilespmem:s1+$0xAA60] =	vst v0;
	s1 =	sshra.s32 s29, $0x2;
	s29 =	sadd.s32 $0x200, s29  }
0x36: {  	[tilespmem:s1+$0xAA70] =	vst v0  }
0x37: {  	[tilespmem:s1+$0xAA00] =	vst v0  }
0x38: {  	[tilespmem:s1+$0xAA10] =	vst v0  }
0x39: {  	[tilespmem:s1+$0xAA20] =	vst v0;
	p1 =	sne.s32 s6, $0x1  }
.Ltmp1:
0x3a: {  	[tilespmem:s1+$0xAA30] =	vst v0;
	(pc) =	sbr.rel @!p1 .LBB2_5-.Ltmp1, $4  }
0x3b: {  	[tilespmem:s1+$0xAA40] =	vst v0  }
0x3c: {  	[tilespmem:s1+$0xAA50] =	vst v0  }
0x3d: {  	[tilespmem:s1+$0xAA60] =	vst v0;
	s1 =	sadd.s32 $0xFFFFFFFF, s6;
	s29 =	smov.u32 s8  }
0x3e: {  	[spmem:s8] =	stream.linear.scatter [tilespmem:s17], [sflag:$0x5], $0x800, $0x38;
	[tilespmem:$0x1EA80] =	vst v63  }
.LBB2_4:
0x3f: {  	p2 =	sne.s32 s1, $0x1  }
.Ltmp2:
0x40: {  	_ = 	snop;
	(pc) =	sbr.rel @p2 .LBB2_4-.Ltmp2, $3  }
0x41: {  	_ = 	snop  }
0x42: {  	s1 =	sadd.s32 $0xFFFFFFFF, s1;
	s29 =	sadd.s32 $0x800, s29;
	_ =	sdelay $0x1  }
0x43: {  	[spmem:s29] =	stream.linear.scatter [tilespmem:s17], [sflag:$0x5], $0x800, $0x38;
	[tilespmem:$0x1EA80] =	vst v63  }
.LBB2_5:
.Ltmp3:
0x44: {  	(pc) =	sbr.rel @!p1 .LBB2_7-.Ltmp3, $3  }
0x45: {  	_ =	sdelay $0x1  }
0x46: {  	_ =	swait.ge [sflag:s18], $0x800  }
0x47: {  	s1 =	sadd.s32 $0xFFFFFFFF, s6;
	[sflag:s18] =	ssyncset.done $0x0  }
.LBB2_6:
0x48: {  	p1 =	sne.s32 s1, $0x1;
	s1 =	sadd.s32 $0xFFFFFFFF, s1;
	[sflag:s18] =	ssyncadd.s32 $0xFFFFF800  }
.Ltmp4:
0x49: {  	(pc) =	sbr.rel @p1 .LBB2_6-.Ltmp4, $3  }
0x4a: {  	_ =	sdelay $0x1  }
0x4b: {  	_ =	swait.ge [sflag:s18], $0x800  }
0x4c: {  	[sflag:s18] =	ssyncset.done $0x0  }
.LBB2_7:
0x4d: {  	p1 =	sle.u32 s5, $0x1  }
0x4e: {  	p2 =	por @!p1 $0x1, $0x1  }
0x4f: {  	[sflag:s18] =	ssyncadd.s32 $0xFFFFF800;
	p2 =	por p2, p1  }
0x50: {  	[bflag:$0x0] =	sbarrier.arrive $0xFFFF;
	s1 =	simm.s32 @!p2 $0x4  }
0x51: {  	_ =	swait.ge @!p2 [sflag:s1], $0x4000  }
0x52: {  	[sflag:s1] =	ssyncset.done @!p2 $0x0  }
0x53: {  	s29 =	simm.s32 $0xC0;
	[sflag:s1] =	ssyncadd.s32 @!p2 $0xFFFFC000  }
0x54: {  	v1 =	vld @!p1 [tilespmem:s29+$0xFFFFFFC0];
	_ =	sdelay $0x4  }
0x55: {  	v2 =	vand.u32 @!p1 $0xFFFF, v1  }
0x56: {  	v1 =	vshrl.u32 @!p1 v1, $0x10;
	[tilespmem:$0x2880] =	vst @!p1 v2  }
0x57: {  	[tilespmem:$0x2980] =	vst @!p1 v1  }
0x58: {  	v1 =	vld @!p1 [tilespmem:s29+$0xFFFFFFD0];
	_ =	sdelay $0x4  }
0x59: {  	v2 =	vand.u32 @!p1 $0xFFFF, v1  }
0x5a: {  	v1 =	vshrl.u32 @!p1 v1, $0x10;
	[tilespmem:$0x2890] =	vst @!p1 v2  }
0x5b: {  	[tilespmem:$0x2990] =	vst @!p1 v1  }
0x5c: {  	v1 =	vld @!p1 [tilespmem:s29+$0xFFFFFFE0];
	_ =	sdelay $0x4  }
0x5d: {  	v2 =	vand.u32 @!p1 $0xFFFF, v1  }
0x5e: {  	v1 =	vshrl.u32 @!p1 v1, $0x10;
	[tilespmem:$0x28A0] =	vst @!p1 v2  }
0x5f: {  	[tilespmem:$0x29A0] =	vst @!p1 v1  }
0x60: {  	v1 =	vld @!p1 [tilespmem:s29+$0xFFFFFFF0];
	_ =	sdelay $0x4  }
0x61: {  	v2 =	vand.u32 @!p1 $0xFFFF, v1  }
0x62: {  	v1 =	vshrl.u32 @!p1 v1, $0x10;
	[tilespmem:$0x28B0] =	vst @!p1 v2  }
0x63: {  	[tilespmem:$0x29B0] =	vst @!p1 v1  }
0x64: {  	v1 =	vld @!p1 [tilespmem:s29+$0x0];
	_ =	sdelay $0x4  }
0x65: {  	v2 =	vand.u32 @!p1 $0xFFFF, v1  }
0x66: {  	v1 =	vshrl.u32 @!p1 v1, $0x10;
	[tilespmem:$0x28C0] =	vst @!p1 v2  }
0x67: {  	[tilespmem:$0x29C0] =	vst @!p1 v1  }
0x68: {  	v1 =	vld @!p1 [tilespmem:s29+$0x10];
	_ =	sdelay $0x4  }
0x69: {  	v2 =	vand.u32 @!p1 $0xFFFF, v1  }
0x6a: {  	v1 =	vshrl.u32 @!p1 v1, $0x10;
	[tilespmem:$0x28D0] =	vst @!p1 v2  }
0x6b: {  	[tilespmem:$0x29D0] =	vst @!p1 v1  }
0x6c: {  	v1 =	vld @!p1 [tilespmem:s29+$0x20];
	_ =	sdelay $0x4  }
0x6d: {  	v2 =	vand.u32 @!p1 $0xFFFF, v1  }
0x6e: {  	v1 =	vshrl.u32 @!p1 v1, $0x10;
	[tilespmem:$0x28E0] =	vst @!p1 v2  }
0x6f: {  	[tilespmem:$0x29E0] =	vst @!p1 v1  }
0x70: {  	v1 =	vld @!p1 [tilespmem:s29+$0x30];
	_ =	sdelay $0x4  }
0x71: {  	v2 =	vand.u32 @!p1 $0xFFFF, v1  }
0x72: {  	v1 =	vshrl.u32 @!p1 v1, $0x10;
	[tilespmem:$0x28F0] =	vst @!p1 v2  }
0x73: {  	s30 =	simm.s32 @!p1 $0x2880;
	s31 =	simm.s32 @!p1 $0x6A00;
	s1 =	simm.s32 @!p1 $0x80;
	[tilespmem:$0x29F0] =	vst @!p1 v1  }
0x74: {  	[tilespmem:s31], [sflag:$0x2] =	stream.indirect.gather @!p1 [hbm4b:s0+s1], $0x80, s30, s1, $0xb8;
	[tilespmem:$0x1EA80] =	vst v63  }
0x75: {  	_ =	swait.ge [sflag:s19], $0x4000  }
0x76: {  	p2 =	sle.u32 s5, $0x2;
	[sflag:s19] =	ssyncset.done $0x0  }
0x77: {  	s1 =	simm.s32 @!p2 $0x3;
	[sflag:s19] =	ssyncadd.s32 $0xFFFFC000  }
0x78: {  	[spmem:s3] =	stream.indirect.scatter.add.f32 [tilespmem:s16], [sflag:$0x3], $0x80, s20, s14, $0xb8;
	[tilespmem:$0x1EA80] =	vst v63  }
0x79: {  	_ =	swait.ge @!p2 [sflag:s1], $0x4000  }
0x7a: {  	[sflag:s1] =	ssyncset.done @!p2 $0x0  }
0x7b: {  	[sflag:s1] =	ssyncadd.s32 @!p2 $0xFFFFC000  }
0x7c: {  	v1 =	vld @!p2 [tilespmem:s29+$0x40];
	_ =	sdelay $0x4  }
0x7d: {  	v2 =	vand.u32 @!p2 $0xFFFF, v1  }
0x7e: {  	v1 =	vshrl.u32 @!p2 v1, $0x10;
	[tilespmem:$0x2800] =	vst @!p2 v2  }
0x7f: {  	[tilespmem:$0x2900] =	vst @!p2 v1  }
0x80: {  	v1 =	vld @!p2 [tilespmem:s29+$0x50];
	_ =	sdelay $0x4  }
0x81: {  	v2 =	vand.u32 @!p2 $0xFFFF, v1  }
0x82: {  	v1 =	vshrl.u32 @!p2 v1, $0x10;
	[tilespmem:$0x2810] =	vst @!p2 v2  }
0x83: {  	[tilespmem:$0x2910] =	vst @!p2 v1  }
0x84: {  	v1 =	vld @!p2 [tilespmem:s29+$0x60];
	_ =	sdelay $0x4  }
0x85: {  	v2 =	vand.u32 @!p2 $0xFFFF, v1  }
0x86: {  	v1 =	vshrl.u32 @!p2 v1, $0x10;
	[tilespmem:$0x2820] =	vst @!p2 v2  }
0x87: {  	[tilespmem:$0x2920] =	vst @!p2 v1  }
0x88: {  	v1 =	vld @!p2 [tilespmem:s29+$0x70];
	_ =	sdelay $0x4  }
0x89: {  	v2 =	vand.u32 @!p2 $0xFFFF, v1  }
0x8a: {  	v1 =	vshrl.u32 @!p2 v1, $0x10;
	[tilespmem:$0x2830] =	vst @!p2 v2  }
0x8b: {  	[tilespmem:$0x2930] =	vst @!p2 v1  }
0x8c: {  	v1 =	vld @!p2 [tilespmem:s29+$0x80];
	_ =	sdelay $0x1  }
0x8d: {  	s30 =	sadd.s32 $0xFFFFFFFF, s9  }
0x8e: {  	p1 =	sne.s32 s30, $0x0  }
.Ltmp5:
0x8f: {  	_ = 	snop;
	(pc) =	sbr.rel @!p1 .LBB2_9-.Ltmp5, $4  }
0x90: {  	v2 =	vand.u32 @!p2 $0xFFFF, v1  }
0x91: {  	v1 =	vshrl.u32 @!p2 v1, $0x10;
	[tilespmem:$0x2840] =	vst @!p2 v2  }
0x92: {  	[tilespmem:$0x2940] =	vst @!p2 v1  }
0x93: {  	s31 =	simm.s32 $0x1;
	s1 =	simm.s32 $0xC0;
	v1 =	vld @!p2 [tilespmem:s29+$0x90]  }
.LBB2_8:
0x94: {  	_ =	sdelay $0x2  }
0x95: {  	s30 =	sadd.s32 $0xFFFFFFFF, s30;
	s31 =	sadd.s32 $0x2, s31;
	s1 =	sadd.s32 $0x100, s1  }
0x96: {  	p1 =	sne.s32 s30, $0x0;
	v2 =	vand.u32 @!p2 $0xFFFF, v1;
	v1 =	vshrl.u32 @!p2 v1, $0x10  }
0x97: {  	[tilespmem:$0x2850] =	vst @!p2 v2  }
0x98: {  	[tilespmem:$0x2950] =	vst @!p2 v1  }
0x99: {  	v1 =	vld @!p2 [tilespmem:s29+$0xA0];
	_ =	sdelay $0x4  }
0x9a: {  	v2 =	vand.u32 @!p2 $0xFFFF, v1;
	v1 =	vshrl.u32 @!p2 v1, $0x10  }
0x9b: {  	[tilespmem:$0x2860] =	vst @!p2 v2  }
0x9c: {  	[tilespmem:$0x2960] =	vst @!p2 v1  }
0x9d: {  	p3 =	sge.u32 s31, s5;
	v1 =	vld @!p2 [tilespmem:s29+$0xB0];
	s29 =	smov.u32 s1;
	_ =	sdelay $0x1  }
0x9e: {  	p4 =	seq.s32 @!p3 s31, $0x1  }
0x9f: {  	p4 =	por p4, p3  }
0xa0: {  	s4 =	simm.s32 @!p4 $0x4  }
0xa1: {  	v2 =	vand.u32 @!p2 $0xFFFF, v1;
	v1 =	vshrl.u32 @!p2 v1, $0x10  }
0xa2: {  	s15 =	simm.s32 @!p2 $0x80;
	s2 =	simm.s32 @!p2 $0x2800;
	s7 =	simm.s32 @!p2 $0x2A00;
	[tilespmem:$0x2870] =	vst @!p2 v2  }
0xa3: {  	[tilespmem:$0x2970] =	vst @!p2 v1  }
0xa4: {  	[tilespmem:s7], [sflag:$0x1] =	stream.indirect.gather @!p2 [hbm4b:s0+s15], $0x80, s2, s15, $0xb8;
	[tilespmem:$0x1EA80] =	vst v63  }
0xa5: {  	_ =	swait.ge [sflag:s21], $0x4000  }
0xa6: {  	[sflag:s21] =	ssyncset.done $0x0  }
0xa7: {  	[sflag:s21] =	ssyncadd.s32 $0xFFFFC000  }
0xa8: {  	[spmem:s3] =	stream.indirect.scatter.add.f32 [tilespmem:s23], [sflag:$0x4], $0x80, s22, s14, $0xb8;
	[tilespmem:$0x1EA80] =	vst v63  }
0xa9: {  	_ =	swait.ge @!p4 [sflag:s4], $0x4000  }
0xaa: {  	[sflag:s4] =	ssyncset.done @!p4 $0x0  }
0xab: {  	[sflag:s4] =	ssyncadd.s32 @!p4 $0xFFFFC000  }
0xac: {  	v1 =	vld @!p3 [tilespmem:s1+$0xFFFFFFC0];
	_ =	sdelay $0x4  }
0xad: {  	v2 =	vand.u32 @!p3 $0xFFFF, v1;
	v1 =	vshrl.u32 @!p3 v1, $0x10  }
0xae: {  	[tilespmem:$0x2880] =	vst @!p3 v2  }
0xaf: {  	[tilespmem:$0x2980] =	vst @!p3 v1  }
0xb0: {  	v1 =	vld @!p3 [tilespmem:s1+$0xFFFFFFD0];
	_ =	sdelay $0x4  }
0xb1: {  	v2 =	vand.u32 @!p3 $0xFFFF, v1;
	v1 =	vshrl.u32 @!p3 v1, $0x10  }
0xb2: {  	[tilespmem:$0x2890] =	vst @!p3 v2  }
0xb3: {  	[tilespmem:$0x2990] =	vst @!p3 v1  }
0xb4: {  	v1 =	vld @!p3 [tilespmem:s1+$0xFFFFFFE0];
	_ =	sdelay $0x4  }
0xb5: {  	v2 =	vand.u32 @!p3 $0xFFFF, v1;
	v1 =	vshrl.u32 @!p3 v1, $0x10  }
0xb6: {  	[tilespmem:$0x28A0] =	vst @!p3 v2  }
0xb7: {  	[tilespmem:$0x29A0] =	vst @!p3 v1  }
0xb8: {  	v1 =	vld @!p3 [tilespmem:s1+$0xFFFFFFF0];
	_ =	sdelay $0x4  }
0xb9: {  	v2 =	vand.u32 @!p3 $0xFFFF, v1;
	v1 =	vshrl.u32 @!p3 v1, $0x10  }
0xba: {  	[tilespmem:$0x28B0] =	vst @!p3 v2  }
0xbb: {  	[tilespmem:$0x29B0] =	vst @!p3 v1  }
0xbc: {  	v1 =	vld @!p3 [tilespmem:s1+$0x0];
	_ =	sdelay $0x4  }
0xbd: {  	v2 =	vand.u32 @!p3 $0xFFFF, v1;
	v1 =	vshrl.u32 @!p3 v1, $0x10  }
0xbe: {  	[tilespmem:$0x28C0] =	vst @!p3 v2  }
0xbf: {  	[tilespmem:$0x29C0] =	vst @!p3 v1  }
0xc0: {  	v1 =	vld @!p3 [tilespmem:s1+$0x10];
	_ =	sdelay $0x4  }
0xc1: {  	v2 =	vand.u32 @!p3 $0xFFFF, v1;
	v1 =	vshrl.u32 @!p3 v1, $0x10  }
0xc2: {  	[tilespmem:$0x28D0] =	vst @!p3 v2  }
0xc3: {  	[tilespmem:$0x29D0] =	vst @!p3 v1  }
0xc4: {  	v1 =	vld @!p3 [tilespmem:s1+$0x20];
	_ =	sdelay $0x4  }
0xc5: {  	v2 =	vand.u32 @!p3 $0xFFFF, v1;
	v1 =	vshrl.u32 @!p3 v1, $0x10  }
0xc6: {  	[tilespmem:$0x28E0] =	vst @!p3 v2  }
0xc7: {  	[tilespmem:$0x29E0] =	vst @!p3 v1  }
0xc8: {  	s2 =	simm.s32 @!p3 $0x80;
	s7 =	simm.s32 @!p3 $0x6A00;
	s4 =	simm.s32 @!p3 $0x2880;
	v1 =	vld @!p3 [tilespmem:s1+$0x30]  }
0xc9: {  	_ =	sdelay $0x1  }
0xca: {  	s15 =	sadd.s32 $0x1, s31  }
0xcb: {  	p2 =	sge.u32 s15, s5  }
0xcc: {  	v2 =	vand.u32 @!p3 $0xFFFF, v1;
	v1 =	vshrl.u32 @!p3 v1, $0x10  }
0xcd: {  	s15 =	simm.s32 @!p2 $0x3;
	[tilespmem:$0x28F0] =	vst @!p3 v2  }
0xce: {  	[tilespmem:$0x29F0] =	vst @!p3 v1  }
0xcf: {  	[tilespmem:s7], [sflag:$0x2] =	stream.indirect.gather @!p3 [hbm4b:s0+s2], $0x80, s4, s2, $0xb8;
	[tilespmem:$0x1EA80] =	vst v63  }
0xd0: {  	_ =	swait.ge [sflag:s19], $0x4000  }
0xd1: {  	[sflag:s19] =	ssyncset.done $0x0  }
0xd2: {  	[sflag:s19] =	ssyncadd.s32 $0xFFFFC000  }
0xd3: {  	[spmem:s3] =	stream.indirect.scatter.add.f32 [tilespmem:s16], [sflag:$0x3], $0x80, s20, s14, $0xb8;
	[tilespmem:$0x1EA80] =	vst v63  }
0xd4: {  	_ =	swait.ge @!p2 [sflag:s15], $0x4000  }
0xd5: {  	[sflag:s15] =	ssyncset.done @!p2 $0x0  }
0xd6: {  	[sflag:s15] =	ssyncadd.s32 @!p2 $0xFFFFC000  }
0xd7: {  	v1 =	vld @!p2 [tilespmem:s1+$0x40];
	_ =	sdelay $0x4  }
0xd8: {  	v2 =	vand.u32 @!p2 $0xFFFF, v1;
	v1 =	vshrl.u32 @!p2 v1, $0x10  }
0xd9: {  	[tilespmem:$0x2800] =	vst @!p2 v2  }
0xda: {  	[tilespmem:$0x2900] =	vst @!p2 v1  }
0xdb: {  	v1 =	vld @!p2 [tilespmem:s1+$0x50];
	_ =	sdelay $0x4  }
0xdc: {  	v2 =	vand.u32 @!p2 $0xFFFF, v1;
	v1 =	vshrl.u32 @!p2 v1, $0x10  }
0xdd: {  	[tilespmem:$0x2810] =	vst @!p2 v2  }
0xde: {  	[tilespmem:$0x2910] =	vst @!p2 v1  }
0xdf: {  	v1 =	vld @!p2 [tilespmem:s1+$0x60];
	_ =	sdelay $0x4  }
0xe0: {  	v2 =	vand.u32 @!p2 $0xFFFF, v1;
	v1 =	vshrl.u32 @!p2 v1, $0x10  }
0xe1: {  	[tilespmem:$0x2820] =	vst @!p2 v2  }
0xe2: {  	[tilespmem:$0x2920] =	vst @!p2 v1  }
0xe3: {  	v1 =	vld @!p2 [tilespmem:s1+$0x70];
	_ =	sdelay $0x4  }
0xe4: {  	v2 =	vand.u32 @!p2 $0xFFFF, v1;
	v1 =	vshrl.u32 @!p2 v1, $0x10  }
0xe5: {  	[tilespmem:$0x2830] =	vst @!p2 v2  }
0xe6: {  	[tilespmem:$0x2930] =	vst @!p2 v1  }
0xe7: {  	v1 =	vld @!p2 [tilespmem:s1+$0x80];
	_ =	sdelay $0x3  }
.Ltmp6:
0xe8: {  	(pc) =	sbr.rel @p1 .LBB2_8-.Ltmp6, $4  }
0xe9: {  	v2 =	vand.u32 @!p2 $0xFFFF, v1;
	v1 =	vshrl.u32 @!p2 v1, $0x10  }
0xea: {  	[tilespmem:$0x2840] =	vst @!p2 v2  }
0xeb: {  	[tilespmem:$0x2940] =	vst @!p2 v1  }
0xec: {  	v1 =	vld @!p2 [tilespmem:s1+$0x90]  }
.LBB2_9:
0xed: {  	_ =	sdelay $0x3  }
0xee: {  	v2 =	vand.u32 @!p2 $0xFFFF, v1  }
0xef: {  	v1 =	vshrl.u32 @!p2 v1, $0x10;
	[tilespmem:$0x2850] =	vst @!p2 v2  }
0xf0: {  	[tilespmem:$0x2950] =	vst @!p2 v1  }
0xf1: {  	v1 =	vld @!p2 [tilespmem:s29+$0xA0];
	_ =	sdelay $0x4  }
0xf2: {  	v2 =	vand.u32 @!p2 $0xFFFF, v1  }
0xf3: {  	v1 =	vshrl.u32 @!p2 v1, $0x10;
	[tilespmem:$0x2860] =	vst @!p2 v2  }
0xf4: {  	[tilespmem:$0x2960] =	vst @!p2 v1  }
0xf5: {  	v1 =	vld @!p2 [tilespmem:s29+$0xB0];
	_ =	sdelay $0x4  }
0xf6: {  	v2 =	vand.u32 @!p2 $0xFFFF, v1  }
0xf7: {  	v1 =	vshrl.u32 @!p2 v1, $0x10;
	[tilespmem:$0x2870] =	vst @!p2 v2  }
0xf8: {  	s1 =	simm.s32 @!p2 $0x80;
	s2 =	simm.s32 @!p2 $0x2800;
	s4 =	simm.s32 @!p2 $0x2A00;
	[tilespmem:$0x2970] =	vst @!p2 v1  }
0xf9: {  	[tilespmem:s4], [sflag:$0x1] =	stream.indirect.gather @!p2 [hbm4b:s0+s1], $0x80, s2, s1, $0xb8;
	[tilespmem:$0x1EA80] =	vst v63  }
0xfa: {  	_ =	swait.ge [sflag:s21], $0x4000  }
0xfb: {  	[sflag:s21] =	ssyncset.done $0x0  }
0xfc: {  	[sflag:s21] =	ssyncadd.s32 $0xFFFFC000  }
0xfd: {  	[spmem:s3] =	stream.indirect.scatter.add.f32 [tilespmem:s23], [sflag:$0x4], $0x80, s22, s14, $0xb8;
	[tilespmem:$0x1EA80] =	vst v63  }
0xfe: {  	_ =	swait.ge [sflag:s24], $0x4000  }
0xff: {  	[sflag:s24] =	ssyncset.done $0x0  }
0x100: {  	[sflag:s24] =	ssyncadd.s32 $0xFFFFC000  }
0x101: {  	_ =	swait.ge [sflag:s26], $0x4000  }
0x102: {  	s30 =	stileid.u32;
	[sflag:s26] =	ssyncset.done $0x0  }
0x103: {  	s1 =	sshll.u32 s30, $0x6;
	[sflag:s26] =	ssyncadd.s32 $0xFFFFC000  }
0x104: {  	s31 =	sshrl.u32 s8, $0x3;
	s1 =	sor.u32 $0x1C06, s1;
	[bflag:$0x0] =	sbarrier.arrive $0xFFFF  }
0x105: {  	[hbm:s10], [sflag:s1] =	dma.local [spmem:s31], $0x2700  }
0x106: {  	_ =	swait.ge [sflag:s13], $0x2700  }
0x107: {  	s28 =	sadd.s32 $0x1, s28;
	[sflag:s13] =	ssyncset.done $0x0  }
0x108: {  	p1 =	sne.s32 s28, s12;
	[sflag:s13] =	ssyncadd.s32 $0xFFFFD900  }
0x109: {  	[hbm:s11], [sflag:s1] =	dma.local @!p0 [spmem:s25], $0x100  }
.Ltmp7:
0x10a: {  	_ = 	snop;
	(pc) =	sbr.rel @p1 .LBB2_1-.Ltmp7, $4  }
0x10b: {  	s1 =	simm.s32 @!p0 $0x6  }
0x10c: {  	_ =	swait.ge @!p0 [sflag:s1], $0x100  }
0x10d: {  	[sflag:s1] =	ssyncset.done @!p0 $0x0  }
0x10e: {  	[sflag:s1] =	ssyncadd.s32 @!p0 $0xFFFFFF00  }
0x10f: {  	_ =	sfence.sel $0x180000  }
0x110: {  	[bflag:$0x0] =	sbarrier.arrive $0xFFFF  }
0x111: {  	_ =	strace $0x90000047  }
0x112: {  	s0 =	stileid.u32;
	[bflag:$0x2] =	sbarrier.arrive $0xFFFF  }
0x113: {  	p0 =	sne.s32 s0, $0x0;
	s0 =	rddreg [dreg:$0x3]  }
0x114: {  	s0 =	sadd.s32 @!p0 $0x100000, s0  }
0x115: {  	[sflag:s0] =	ssyncadd.tile.s32 @!p0 $0x1;
	_ =	shalt  }
.Lfunc_end2:
_tile_overlayer_lowered:
.L_overlay_start_2:
0x116: {  	(tag) =	ssettag $0x2  }
0x117: {  	s0 =	rddreg [dreg:$0x0];
	s2 =	stileid.u32  }
0x118: {  	s1 =	rddreg [dreg:$0x1];
	p0 =	sne.s32 s2, $0x0  }
0x119: {  	s3 =	rddreg [dreg:$0x2];
	[bflag:$0x3] =	sbarrier.arrive $0xFFFF;
	s2 =	simm.s32 @!p0 $0x1C06  }
0x11a: {  	[timem:s3], [sflag:s2] =	dma.local @!p0 [hbm:s0], s1  }
0x11b: {  	s0 =	simm.s32 @!p0 $0x6  }
0x11c: {  	_ =	swait.ge @!p0 [sflag:s0], s1  }
0x11d: {  	s1 =	ssub.s32 @!p0 $0x0, s1;
	[sflag:s0] =	ssyncset.done @!p0 $0x0  }
0x11e: {  	[sflag:s0] =	ssyncadd.s32 @!p0 s1  }
0x11f: {  	[bflag:$0x3] =	sbarrier.arrive $0xFFFF  }
0x120: {  	_ =	shalt  }

</sc_bundles>
